<compile_context>
chip_gen: v7x
topology: tpu7x:2x2x1
jax: 0.10.2.dev20260603
libtpu: 0.0.44.dev20260713+nightly
codegen_flags: <defaults>
</compile_context>

<pallas_src>
import functools

import jax
import jax.numpy as jnp
from jax import lax
from jax.experimental import pallas as pl
from jax.experimental.pallas import tpu as pltpu
from jax.experimental.pallas import tpu_sc as plsc

_CHUNK = 128
_NBUF = 8


@functools.cache
def _build_gather(B, V, D, num_cores, num_subcores):
    nw = num_cores * num_subcores
    assert B % (nw * _CHUNK) == 0
    rows_per_w = B // nw
    n = rows_per_w // _CHUNK
    assert n > 2 * _NBUF and (n - 2 * _NBUF) % _NBUF == 0

    mesh = plsc.VectorSubcoreMesh(core_axis_name="c", subcore_axis_name="s")

    scratch = (
        [pltpu.VMEM((n, _CHUNK), jnp.int32)]
        + [pltpu.VMEM((_CHUNK, D), jnp.float32) for _ in range(_NBUF)]
        + [pltpu.SemaphoreType.DMA for _ in range(2 * _NBUF)]
    )

    @functools.partial(
        pl.kernel,
        mesh=mesh,
        out_type=jax.ShapeDtypeStruct((B, 128), jnp.float32),
        scratch_types=scratch,
        compiler_params=pltpu.CompilerParams(use_tc_tiling_on_sc=False),
    )
    def gather(idx_hbm, table_hbm, out_hbm, idx_v, *bufs_and_sems):
        bufs = bufs_and_sems[:_NBUF]
        sems_g = bufs_and_sems[_NBUF : 2 * _NBUF]
        sems_s = bufs_and_sems[2 * _NBUF :]

        wid = lax.axis_index("s") * num_cores + lax.axis_index("c")
        base_chunk = wid * n
        base_row = wid * rows_per_w
        pltpu.sync_copy(idx_hbm.at[pl.ds(base_chunk, n)], idx_v)

        def gather_copy(j, b):
            return pltpu.make_async_copy(
                table_hbm.at[idx_v.at[j]],
                bufs[b],
                sems_g[b],
            )

        def scatter_copy(j, b):
            return pltpu.make_async_copy(
                bufs[b],
                out_hbm.at[pl.ds(base_row + j * _CHUNK, _CHUNK), pl.ds(0, D)],
                sems_s[b],
            )

        for b in range(_NBUF):
            gather_copy(b, b).start()

        for k in range(_NBUF):
            gather_copy(k, k).wait()
            scatter_copy(k, k).start()
            if k >= 1:
                bp = k - 1
                scatter_copy(k - 1, bp).wait()
                gather_copy(k - 1 + _NBUF, bp).start()

        @pl.loop(_NBUF, n - _NBUF, step=_NBUF)
        def _body(ko):
            for b in range(_NBUF):
                k = ko + b
                gather_copy(k, b).wait()
                scatter_copy(k, b).start()
                bp = (b - 1) % _NBUF
                scatter_copy(k - 1, bp).wait()
                gather_copy(k - 1 + _NBUF, bp).start()

        for k in range(n - _NBUF, n):
            b = k % _NBUF
            gather_copy(k, b).wait()
            scatter_copy(k, b).start()
            bp = (b - 1) % _NBUF
            scatter_copy(k - 1, bp).wait()
            if k - 1 + _NBUF < n:
                gather_copy(k - 1 + _NBUF, bp).start()
        scatter_copy(n - 1, (n - 1) % _NBUF).wait()

    return gather


def kernel(x, table):
    batch, seq = x.shape
    V, D = table.shape
    B = batch * seq
    info = plsc.get_sparse_core_info()
    xf = x.reshape(B // _CHUNK, _CHUNK)
    out = _build_gather(B, V, D, info.num_cores, info.num_subcores)(xf, table)
    return out[:, :D].reshape(batch, seq, D)

# --- scband reference (transcript-rebuilt; emitter-appended) ---
"""Pipeline reference for scband-word-encoder-33500744908930 (READ-ONLY COPY).

The authoritative reference and input builder live on the scoring server;
editing this copy changes nothing except your own understanding.
"""

import jax, jax.numpy as jnp
import numpy as np

NUM_EMBEDDINGS = 1000000
EMBED_DIM = 64
BATCH = 4096
SEQ = 200


def setup_inputs(seed: int = 0) -> dict:
    key = jax.random.key(seed)
    k_idx, k_tab = jax.random.split(key)
    x = jax.random.randint(k_idx, (BATCH, SEQ), 0, NUM_EMBEDDINGS, dtype=jnp.int64 if jax.config.jax_enable_x64 else jnp.int32)
    table = jax.random.normal(k_tab, (NUM_EMBEDDINGS, EMBED_DIM), dtype=jnp.float32)
    return {"x": x, "table": table}


def reference(x, table):
    # nn.Embedding lookup: (batch, seq) -> (batch, seq, embed_dim)
    return jnp.take(table, x, axis=0)

if __name__ == "__main__":
    import jax
    _d = setup_inputs()
    print(jax.jit(kernel)(*tuple(_d.values())))

</pallas_src>

<mosaic_0001>
#map = affine_map<(d0, d1) -> (0, 0)>
module attributes {stable_mosaic.version = 14 : i64} {
  func.func @gather(%arg0: i32, %arg1: i32, %arg2: memref<6400x128xi32, #tpu.memory_space<hbm>>, %arg3: memref<1000000x64xf32, #tpu.memory_space<hbm>>, %arg4: memref<819200x128xf32, #tpu.memory_space<hbm>>, %arg5: memref<200x128xi32, #tpu.memory_space<vmem>>, %arg6: memref<128x64xf32, #tpu.memory_space<vmem>>, %arg7: memref<128x64xf32, #tpu.memory_space<vmem>>, %arg8: memref<128x64xf32, #tpu.memory_space<vmem>>, %arg9: memref<128x64xf32, #tpu.memory_space<vmem>>, %arg10: memref<128x64xf32, #tpu.memory_space<vmem>>, %arg11: memref<128x64xf32, #tpu.memory_space<vmem>>, %arg12: memref<128x64xf32, #tpu.memory_space<vmem>>, %arg13: memref<128x64xf32, #tpu.memory_space<vmem>>, %arg14: memref<!tpu.dma_semaphore, #tpu.memory_space<semaphore_mem>>, %arg15: memref<!tpu.dma_semaphore, #tpu.memory_space<semaphore_mem>>, %arg16: memref<!tpu.dma_semaphore, #tpu.memory_space<semaphore_mem>>, %arg17: memref<!tpu.dma_semaphore, #tpu.memory_space<semaphore_mem>>, %arg18: memref<!tpu.dma_semaphore, #tpu.memory_space<semaphore_mem>>, %arg19: memref<!tpu.dma_semaphore, #tpu.memory_space<semaphore_mem>>, %arg20: memref<!tpu.dma_semaphore, #tpu.memory_space<semaphore_mem>>, %arg21: memref<!tpu.dma_semaphore, #tpu.memory_space<semaphore_mem>>, %arg22: memref<!tpu.dma_semaphore, #tpu.memory_space<semaphore_mem>>, %arg23: memref<!tpu.dma_semaphore, #tpu.memory_space<semaphore_mem>>, %arg24: memref<!tpu.dma_semaphore, #tpu.memory_space<semaphore_mem>>, %arg25: memref<!tpu.dma_semaphore, #tpu.memory_space<semaphore_mem>>, %arg26: memref<!tpu.dma_semaphore, #tpu.memory_space<semaphore_mem>>, %arg27: memref<!tpu.dma_semaphore, #tpu.memory_space<semaphore_mem>>, %arg28: memref<!tpu.dma_semaphore, #tpu.memory_space<semaphore_mem>>, %arg29: memref<!tpu.dma_semaphore, #tpu.memory_space<semaphore_mem>>) attributes {dimension_semantics = [#tpu.dimension_semantics<core_parallel>, #tpu.dimension_semantics<subcore_parallel>], iteration_bounds = array<i64: 2, 16>, scalar_prefetch = 0 : i64, scratch_operands = 25 : i64, tpu.core_type = #tpu.core_type<sc_vector_subcore>, window_params = [{transform_indices = #map}, {transform_indices = #map}, {transform_indices = #map}]} {
    %mul3A = arith.constant 2 : i32
    %mul3A_0 = arith.muli %arg1, %mul3A : i32
    %add3A = arith.addi %mul3A_0, %arg0 : i32
    %mul3A_1 = arith.constant 200 : i32
    %mul3A_2 = arith.muli %add3A, %mul3A_1 : i32
    %mul3A_3 = arith.constant 25600 : i32
    %mul3A_4 = arith.muli %add3A, %mul3A_3 : i32
    "tpu.region"() ({
      %run_scoped3A = tpu.sem_alloc : memref<!tpu.dma_semaphore, #tpu.memory_space<semaphore_mem>>
      %dma_start3A_423 = arith.constant 0 : i32
      %dma_start3A_424 = tpu.memref_slice %arg2[%mul3A_2, %dma_start3A_423] : memref<6400x128xi32, #tpu.memory_space<hbm>> -> memref<200x128xi32, #tpu.memory_space<hbm>>
      %dma_start3A_425 = arith.constant 0 : i32
      %dma_start3A_426 = tpu.memref_slice %arg2[%mul3A_2, %dma_start3A_425] : memref<6400x128xi32, #tpu.memory_space<hbm>> -> memref<200x128xi32, #tpu.memory_space<hbm>>
      tpu.enqueue_dma source(%dma_start3A_426 : memref<200x128xi32, #tpu.memory_space<hbm>>) target(%arg5 : memref<200x128xi32, #tpu.memory_space<vmem>>) target_semaphore(%run_scoped3A : memref<!tpu.dma_semaphore, #tpu.memory_space<semaphore_mem>>)
      %dma_wait3A_427 = arith.constant 0 : i32
      %dma_wait3A_428 = tpu.memref_slice %arg2[%mul3A_2, %dma_wait3A_427] : memref<6400x128xi32, #tpu.memory_space<hbm>> -> memref<200x128xi32, #tpu.memory_space<hbm>>
      %dma_wait3A_429 = arith.constant 0 : i32
      %dma_wait3A_430 = tpu.memref_slice %arg2[%mul3A_2, %dma_wait3A_429] : memref<6400x128xi32, #tpu.memory_space<hbm>> -> memref<200x128xi32, #tpu.memory_space<hbm>>
      tpu.wait_dma2 semaphore(%run_scoped3A : memref<!tpu.dma_semaphore, #tpu.memory_space<semaphore_mem>>) src(%dma_wait3A_430 : memref<200x128xi32, #tpu.memory_space<hbm>>) dst(%arg5 : memref<200x128xi32, #tpu.memory_space<vmem>>)
      tpu.yield
    }) : () -> ()
    %dma_start3A = arith.constant 0 : i32
    %dma_start3A_5 = arith.constant 0 : i32
    %dma_start3A_6 = tpu.memref_slice %arg5[%dma_start3A, %dma_start3A_5] : memref<200x128xi32, #tpu.memory_space<vmem>> -> memref<1x128xi32, #tpu.memory_space<vmem>>
    %dma_start3A_7 = tpu.memref_squeeze %dma_start3A_6 : memref<1x128xi32, #tpu.memory_space<vmem>> -> memref<128xi32, #tpu.memory_space<vmem>>
    %dma_start3A_8 = arith.constant 0 : i32
    %dma_start3A_9 = arith.constant 0 : i32
    %dma_start3A_10 = tpu.memref_slice %arg3[%dma_start3A_8, %dma_start3A_9] : memref<1000000x64xf32, #tpu.memory_space<hbm>> -> memref<1000000x64xf32, #tpu.memory_space<hbm>>
    tpu.enqueue_indirect_dma source(%dma_start3A_10 : memref<1000000x64xf32, #tpu.memory_space<hbm>>) target(%arg6 : memref<128x64xf32, #tpu.memory_space<vmem>>) offsets(%dma_start3A_7 : memref<128xi32, #tpu.memory_space<vmem>>) semaphore(%arg14 : memref<!tpu.dma_semaphore, #tpu.memory_space<semaphore_mem>>)
    %dma_start3A_11 = arith.constant 1 : i32
    %dma_start3A_12 = arith.constant 0 : i32
    %dma_start3A_13 = tpu.memref_slice %arg5[%dma_start3A_11, %dma_start3A_12] : memref<200x128xi32, #tpu.memory_space<vmem>> -> memref<1x128xi32, #tpu.memory_space<vmem>>
    %dma_start3A_14 = tpu.memref_squeeze %dma_start3A_13 : memref<1x128xi32, #tpu.memory_space<vmem>> -> memref<128xi32, #tpu.memory_space<vmem>>
    %dma_start3A_15 = arith.constant 0 : i32
    %dma_start3A_16 = arith.constant 0 : i32
    %dma_start3A_17 = tpu.memref_slice %arg3[%dma_start3A_15, %dma_start3A_16] : memref<1000000x64xf32, #tpu.memory_space<hbm>> -> memref<1000000x64xf32, #tpu.memory_space<hbm>>
    tpu.enqueue_indirect_dma source(%dma_start3A_17 : memref<1000000x64xf32, #tpu.memory_space<hbm>>) target(%arg7 : memref<128x64xf32, #tpu.memory_space<vmem>>) offsets(%dma_start3A_14 : memref<128xi32, #tpu.memory_space<vmem>>) semaphore(%arg15 : memref<!tpu.dma_semaphore, #tpu.memory_space<semaphore_mem>>)
    %dma_start3A_18 = arith.constant 2 : i32
    %dma_start3A_19 = arith.constant 0 : i32
    %dma_start3A_20 = tpu.memref_slice %arg5[%dma_start3A_18, %dma_start3A_19] : memref<200x128xi32, #tpu.memory_space<vmem>> -> memref<1x128xi32, #tpu.memory_space<vmem>>
    %dma_start3A_21 = tpu.memref_squeeze %dma_start3A_20 : memref<1x128xi32, #tpu.memory_space<vmem>> -> memref<128xi32, #tpu.memory_space<vmem>>
    %dma_start3A_22 = arith.constant 0 : i32
    %dma_start3A_23 = arith.constant 0 : i32
    %dma_start3A_24 = tpu.memref_slice %arg3[%dma_start3A_22, %dma_start3A_23] : memref<1000000x64xf32, #tpu.memory_space<hbm>> -> memref<1000000x64xf32, #tpu.memory_space<hbm>>
    tpu.enqueue_indirect_dma source(%dma_start3A_24 : memref<1000000x64xf32, #tpu.memory_space<hbm>>) target(%arg8 : memref<128x64xf32, #tpu.memory_space<vmem>>) offsets(%dma_start3A_21 : memref<128xi32, #tpu.memory_space<vmem>>) semaphore(%arg16 : memref<!tpu.dma_semaphore, #tpu.memory_space<semaphore_mem>>)
    %dma_start3A_25 = arith.constant 3 : i32
    %dma_start3A_26 = arith.constant 0 : i32
    %dma_start3A_27 = tpu.memref_slice %arg5[%dma_start3A_25, %dma_start3A_26] : memref<200x128xi32, #tpu.memory_space<vmem>> -> memref<1x128xi32, #tpu.memory_space<vmem>>
    %dma_start3A_28 = tpu.memref_squeeze %dma_start3A_27 : memref<1x128xi32, #tpu.memory_space<vmem>> -> memref<128xi32, #tpu.memory_space<vmem>>
    %dma_start3A_29 = arith.constant 0 : i32
    %dma_start3A_30 = arith.constant 0 : i32
    %dma_start3A_31 = tpu.memref_slice %arg3[%dma_start3A_29, %dma_start3A_30] : memref<1000000x64xf32, #tpu.memory_space<hbm>> -> memref<1000000x64xf32, #tpu.memory_space<hbm>>
    tpu.enqueue_indirect_dma source(%dma_start3A_31 : memref<1000000x64xf32, #tpu.memory_space<hbm>>) target(%arg9 : memref<128x64xf32, #tpu.memory_space<vmem>>) offsets(%dma_start3A_28 : memref<128xi32, #tpu.memory_space<vmem>>) semaphore(%arg17 : memref<!tpu.dma_semaphore, #tpu.memory_space<semaphore_mem>>)
    %dma_start3A_32 = arith.constant 4 : i32
    %dma_start3A_33 = arith.constant 0 : i32
    %dma_start3A_34 = tpu.memref_slice %arg5[%dma_start3A_32, %dma_start3A_33] : memref<200x128xi32, #tpu.memory_space<vmem>> -> memref<1x128xi32, #tpu.memory_space<vmem>>
    %dma_start3A_35 = tpu.memref_squeeze %dma_start3A_34 : memref<1x128xi32, #tpu.memory_space<vmem>> -> memref<128xi32, #tpu.memory_space<vmem>>
    %dma_start3A_36 = arith.constant 0 : i32
    %dma_start3A_37 = arith.constant 0 : i32
    %dma_start3A_38 = tpu.memref_slice %arg3[%dma_start3A_36, %dma_start3A_37] : memref<1000000x64xf32, #tpu.memory_space<hbm>> -> memref<1000000x64xf32, #tpu.memory_space<hbm>>
    tpu.enqueue_indirect_dma source(%dma_start3A_38 : memref<1000000x64xf32, #tpu.memory_space<hbm>>) target(%arg10 : memref<128x64xf32, #tpu.memory_space<vmem>>) offsets(%dma_start3A_35 : memref<128xi32, #tpu.memory_space<vmem>>) semaphore(%arg18 : memref<!tpu.dma_semaphore, #tpu.memory_space<semaphore_mem>>)
    %dma_start3A_39 = arith.constant 5 : i32
    %dma_start3A_40 = arith.constant 0 : i32
    %dma_start3A_41 = tpu.memref_slice %arg5[%dma_start3A_39, %dma_start3A_40] : memref<200x128xi32, #tpu.memory_space<vmem>> -> memref<1x128xi32, #tpu.memory_space<vmem>>
    %dma_start3A_42 = tpu.memref_squeeze %dma_start3A_41 : memref<1x128xi32, #tpu.memory_space<vmem>> -> memref<128xi32, #tpu.memory_space<vmem>>
    %dma_start3A_43 = arith.constant 0 : i32
    %dma_start3A_44 = arith.constant 0 : i32
    %dma_start3A_45 = tpu.memref_slice %arg3[%dma_start3A_43, %dma_start3A_44] : memref<1000000x64xf32, #tpu.memory_space<hbm>> -> memref<1000000x64xf32, #tpu.memory_space<hbm>>
    tpu.enqueue_indirect_dma source(%dma_start3A_45 : memref<1000000x64xf32, #tpu.memory_space<hbm>>) target(%arg11 : memref<128x64xf32, #tpu.memory_space<vmem>>) offsets(%dma_start3A_42 : memref<128xi32, #tpu.memory_space<vmem>>) semaphore(%arg19 : memref<!tpu.dma_semaphore, #tpu.memory_space<semaphore_mem>>)
    %dma_start3A_46 = arith.constant 6 : i32
    %dma_start3A_47 = arith.constant 0 : i32
    %dma_start3A_48 = tpu.memref_slice %arg5[%dma_start3A_46, %dma_start3A_47] : memref<200x128xi32, #tpu.memory_space<vmem>> -> memref<1x128xi32, #tpu.memory_space<vmem>>
    %dma_start3A_49 = tpu.memref_squeeze %dma_start3A_48 : memref<1x128xi32, #tpu.memory_space<vmem>> -> memref<128xi32, #tpu.memory_space<vmem>>
    %dma_start3A_50 = arith.constant 0 : i32
    %dma_start3A_51 = arith.constant 0 : i32
    %dma_start3A_52 = tpu.memref_slice %arg3[%dma_start3A_50, %dma_start3A_51] : memref<1000000x64xf32, #tpu.memory_space<hbm>> -> memref<1000000x64xf32, #tpu.memory_space<hbm>>
    tpu.enqueue_indirect_dma source(%dma_start3A_52 : memref<1000000x64xf32, #tpu.memory_space<hbm>>) target(%arg12 : memref<128x64xf32, #tpu.memory_space<vmem>>) offsets(%dma_start3A_49 : memref<128xi32, #tpu.memory_space<vmem>>) semaphore(%arg20 : memref<!tpu.dma_semaphore, #tpu.memory_space<semaphore_mem>>)
    %dma_start3A_53 = arith.constant 7 : i32
    %dma_start3A_54 = arith.constant 0 : i32
    %dma_start3A_55 = tpu.memref_slice %arg5[%dma_start3A_53, %dma_start3A_54] : memref<200x128xi32, #tpu.memory_space<vmem>> -> memref<1x128xi32, #tpu.memory_space<vmem>>
    %dma_start3A_56 = tpu.memref_squeeze %dma_start3A_55 : memref<1x128xi32, #tpu.memory_space<vmem>> -> memref<128xi32, #tpu.memory_space<vmem>>
    %dma_start3A_57 = arith.constant 0 : i32
    %dma_start3A_58 = arith.constant 0 : i32
    %dma_start3A_59 = tpu.memref_slice %arg3[%dma_start3A_57, %dma_start3A_58] : memref<1000000x64xf32, #tpu.memory_space<hbm>> -> memref<1000000x64xf32, #tpu.memory_space<hbm>>
    tpu.enqueue_indirect_dma source(%dma_start3A_59 : memref<1000000x64xf32, #tpu.memory_space<hbm>>) target(%arg13 : memref<128x64xf32, #tpu.memory_space<vmem>>) offsets(%dma_start3A_56 : memref<128xi32, #tpu.memory_space<vmem>>) semaphore(%arg21 : memref<!tpu.dma_semaphore, #tpu.memory_space<semaphore_mem>>)
    %dma_wait3A = arith.constant 0 : i32
    %dma_wait3A_60 = arith.constant 0 : i32
    %dma_wait3A_61 = tpu.memref_slice %arg5[%dma_wait3A, %dma_wait3A_60] : memref<200x128xi32, #tpu.memory_space<vmem>> -> memref<1x128xi32, #tpu.memory_space<vmem>>
    %dma_wait3A_62 = tpu.memref_squeeze %dma_wait3A_61 : memref<1x128xi32, #tpu.memory_space<vmem>> -> memref<128xi32, #tpu.memory_space<vmem>>
    %dma_wait3A_63 = arith.constant 0 : i32
    %dma_wait3A_64 = arith.constant 0 : i32
    %dma_wait3A_65 = tpu.memref_slice %arg3[%dma_wait3A_63, %dma_wait3A_64] : memref<1000000x64xf32, #tpu.memory_space<hbm>> -> memref<1000000x64xf32, #tpu.memory_space<hbm>>
    tpu.wait_indirect_dma semaphore(%arg14 : memref<!tpu.dma_semaphore, #tpu.memory_space<semaphore_mem>>) src(%dma_wait3A_65 : memref<1000000x64xf32, #tpu.memory_space<hbm>>) dst(%arg6 : memref<128x64xf32, #tpu.memory_space<vmem>>)
    %add3A_66 = arith.constant 0 : i32
    %add3A_67 = arith.addi %mul3A_4, %add3A_66 : i32
    %dma_start3A_68 = arith.constant 0 : i32
    %dma_start3A_69 = tpu.memref_slice %arg4[%add3A_67, %dma_start3A_68] : memref<819200x128xf32, #tpu.memory_space<hbm>> -> memref<128x64xf32, #tpu.memory_space<hbm>>
    %dma_start3A_70 = arith.constant 0 : i32
    %dma_start3A_71 = tpu.memref_slice %arg4[%add3A_67, %dma_start3A_70] : memref<819200x128xf32, #tpu.memory_space<hbm>> -> memref<128x64xf32, #tpu.memory_space<hbm>>
    tpu.enqueue_dma source(%arg6 : memref<128x64xf32, #tpu.memory_space<vmem>>) target(%dma_start3A_71 : memref<128x64xf32, #tpu.memory_space<hbm>>) target_semaphore(%arg22 : memref<!tpu.dma_semaphore, #tpu.memory_space<semaphore_mem>>)
    %dma_wait3A_72 = arith.constant 1 : i32
    %dma_wait3A_73 = arith.constant 0 : i32
    %dma_wait3A_74 = tpu.memref_slice %arg5[%dma_wait3A_72, %dma_wait3A_73] : memref<200x128xi32, #tpu.memory_space<vmem>> -> memref<1x128xi32, #tpu.memory_space<vmem>>
    %dma_wait3A_75 = tpu.memref_squeeze %dma_wait3A_74 : memref<1x128xi32, #tpu.memory_space<vmem>> -> memref<128xi32, #tpu.memory_space<vmem>>
    %dma_wait3A_76 = arith.constant 0 : i32
    %dma_wait3A_77 = arith.constant 0 : i32
    %dma_wait3A_78 = tpu.memref_slice %arg3[%dma_wait3A_76, %dma_wait3A_77] : memref<1000000x64xf32, #tpu.memory_space<hbm>> -> memref<1000000x64xf32, #tpu.memory_space<hbm>>
    tpu.wait_indirect_dma semaphore(%arg15 : memref<!tpu.dma_semaphore, #tpu.memory_space<semaphore_mem>>) src(%dma_wait3A_78 : memref<1000000x64xf32, #tpu.memory_space<hbm>>) dst(%arg7 : memref<128x64xf32, #tpu.memory_space<vmem>>)
    %add3A_79 = arith.constant 128 : i32
    %add3A_80 = arith.addi %mul3A_4, %add3A_79 : i32
    %dma_start3A_81 = arith.constant 0 : i32
    %dma_start3A_82 = tpu.memref_slice %arg4[%add3A_80, %dma_start3A_81] : memref<819200x128xf32, #tpu.memory_space<hbm>> -> memref<128x64xf32, #tpu.memory_space<hbm>>
    %dma_start3A_83 = arith.constant 0 : i32
    %dma_start3A_84 = tpu.memref_slice %arg4[%add3A_80, %dma_start3A_83] : memref<819200x128xf32, #tpu.memory_space<hbm>> -> memref<128x64xf32, #tpu.memory_space<hbm>>
    tpu.enqueue_dma source(%arg7 : memref<128x64xf32, #tpu.memory_space<vmem>>) target(%dma_start3A_84 : memref<128x64xf32, #tpu.memory_space<hbm>>) target_semaphore(%arg23 : memref<!tpu.dma_semaphore, #tpu.memory_space<semaphore_mem>>)
    %add3A_85 = arith.constant 0 : i32
    %add3A_86 = arith.addi %mul3A_4, %add3A_85 : i32
    %dma_wait3A_87 = arith.constant 0 : i32
    %dma_wait3A_88 = tpu.memref_slice %arg4[%add3A_86, %dma_wait3A_87] : memref<819200x128xf32, #tpu.memory_space<hbm>> -> memref<128x64xf32, #tpu.memory_space<hbm>>
    %dma_wait3A_89 = arith.constant 0 : i32
    %dma_wait3A_90 = tpu.memref_slice %arg4[%add3A_86, %dma_wait3A_89] : memref<819200x128xf32, #tpu.memory_space<hbm>> -> memref<128x64xf32, #tpu.memory_space<hbm>>
    tpu.wait_dma2 semaphore(%arg22 : memref<!tpu.dma_semaphore, #tpu.memory_space<semaphore_mem>>) src(%arg6 : memref<128x64xf32, #tpu.memory_space<vmem>>) dst(%dma_wait3A_90 : memref<128x64xf32, #tpu.memory_space<hbm>>)
    %dma_start3A_91 = arith.constant 8 : i32
    %dma_start3A_92 = arith.constant 0 : i32
    %dma_start3A_93 = tpu.memref_slice %arg5[%dma_start3A_91, %dma_start3A_92] : memref<200x128xi32, #tpu.memory_space<vmem>> -> memref<1x128xi32, #tpu.memory_space<vmem>>
    %dma_start3A_94 = tpu.memref_squeeze %dma_start3A_93 : memref<1x128xi32, #tpu.memory_space<vmem>> -> memref<128xi32, #tpu.memory_space<vmem>>
    %dma_start3A_95 = arith.constant 0 : i32
    %dma_start3A_96 = arith.constant 0 : i32
    %dma_start3A_97 = tpu.memref_slice %arg3[%dma_start3A_95, %dma_start3A_96] : memref<1000000x64xf32, #tpu.memory_space<hbm>> -> memref<1000000x64xf32, #tpu.memory_space<hbm>>
    tpu.enqueue_indirect_dma source(%dma_start3A_97 : memref<1000000x64xf32, #tpu.memory_space<hbm>>) target(%arg6 : memref<128x64xf32, #tpu.memory_space<vmem>>) offsets(%dma_start3A_94 : memref<128xi32, #tpu.memory_space<vmem>>) semaphore(%arg14 : memref<!tpu.dma_semaphore, #tpu.memory_space<semaphore_mem>>)
    %dma_wait3A_98 = arith.constant 2 : i32
    %dma_wait3A_99 = arith.constant 0 : i32
    %dma_wait3A_100 = tpu.memref_slice %arg5[%dma_wait3A_98, %dma_wait3A_99] : memref<200x128xi32, #tpu.memory_space<vmem>> -> memref<1x128xi32, #tpu.memory_space<vmem>>
    %dma_wait3A_101 = tpu.memref_squeeze %dma_wait3A_100 : memref<1x128xi32, #tpu.memory_space<vmem>> -> memref<128xi32, #tpu.memory_space<vmem>>
    %dma_wait3A_102 = arith.constant 0 : i32
    %dma_wait3A_103 = arith.constant 0 : i32
    %dma_wait3A_104 = tpu.memref_slice %arg3[%dma_wait3A_102, %dma_wait3A_103] : memref<1000000x64xf32, #tpu.memory_space<hbm>> -> memref<1000000x64xf32, #tpu.memory_space<hbm>>
    tpu.wait_indirect_dma semaphore(%arg16 : memref<!tpu.dma_semaphore, #tpu.memory_space<semaphore_mem>>) src(%dma_wait3A_104 : memref<1000000x64xf32, #tpu.memory_space<hbm>>) dst(%arg8 : memref<128x64xf32, #tpu.memory_space<vmem>>)
    %add3A_105 = arith.constant 256 : i32
    %add3A_106 = arith.addi %mul3A_4, %add3A_105 : i32
    %dma_start3A_107 = arith.constant 0 : i32
    %dma_start3A_108 = tpu.memref_slice %arg4[%add3A_106, %dma_start3A_107] : memref<819200x128xf32, #tpu.memory_space<hbm>> -> memref<128x64xf32, #tpu.memory_space<hbm>>
    %dma_start3A_109 = arith.constant 0 : i32
    %dma_start3A_110 = tpu.memref_slice %arg4[%add3A_106, %dma_start3A_109] : memref<819200x128xf32, #tpu.memory_space<hbm>> -> memref<128x64xf32, #tpu.memory_space<hbm>>
    tpu.enqueue_dma source(%arg8 : memref<128x64xf32, #tpu.memory_space<vmem>>) target(%dma_start3A_110 : memref<128x64xf32, #tpu.memory_space<hbm>>) target_semaphore(%arg24 : memref<!tpu.dma_semaphore, #tpu.memory_space<semaphore_mem>>)
    %add3A_111 = arith.constant 128 : i32
    %add3A_112 = arith.addi %mul3A_4, %add3A_111 : i32
    %dma_wait3A_113 = arith.constant 0 : i32
    %dma_wait3A_114 = tpu.memref_slice %arg4[%add3A_112, %dma_wait3A_113] : memref<819200x128xf32, #tpu.memory_space<hbm>> -> memref<128x64xf32, #tpu.memory_space<hbm>>
    %dma_wait3A_115 = arith.constant 0 : i32
    %dma_wait3A_116 = tpu.memref_slice %arg4[%add3A_112, %dma_wait3A_115] : memref<819200x128xf32, #tpu.memory_space<hbm>> -> memref<128x64xf32, #tpu.memory_space<hbm>>
    tpu.wait_dma2 semaphore(%arg23 : memref<!tpu.dma_semaphore, #tpu.memory_space<semaphore_mem>>) src(%arg7 : memref<128x64xf32, #tpu.memory_space<vmem>>) dst(%dma_wait3A_116 : memref<128x64xf32, #tpu.memory_space<hbm>>)
    %dma_start3A_117 = arith.constant 9 : i32
    %dma_start3A_118 = arith.constant 0 : i32
    %dma_start3A_119 = tpu.memref_slice %arg5[%dma_start3A_117, %dma_start3A_118] : memref<200x128xi32, #tpu.memory_space<vmem>> -> memref<1x128xi32, #tpu.memory_space<vmem>>
    %dma_start3A_120 = tpu.memref_squeeze %dma_start3A_119 : memref<1x128xi32, #tpu.memory_space<vmem>> -> memref<128xi32, #tpu.memory_space<vmem>>
    %dma_start3A_121 = arith.constant 0 : i32
    %dma_start3A_122 = arith.constant 0 : i32
    %dma_start3A_123 = tpu.memref_slice %arg3[%dma_start3A_121, %dma_start3A_122] : memref<1000000x64xf32, #tpu.memory_space<hbm>> -> memref<1000000x64xf32, #tpu.memory_space<hbm>>
    tpu.enqueue_indirect_dma source(%dma_start3A_123 : memref<1000000x64xf32, #tpu.memory_space<hbm>>) target(%arg7 : memref<128x64xf32, #tpu.memory_space<vmem>>) offsets(%dma_start3A_120 : memref<128xi32, #tpu.memory_space<vmem>>) semaphore(%arg15 : memref<!tpu.dma_semaphore, #tpu.memory_space<semaphore_mem>>)
    %dma_wait3A_124 = arith.constant 3 : i32
    %dma_wait3A_125 = arith.constant 0 : i32
    %dma_wait3A_126 = tpu.memref_slice %arg5[%dma_wait3A_124, %dma_wait3A_125] : memref<200x128xi32, #tpu.memory_space<vmem>> -> memref<1x128xi32, #tpu.memory_space<vmem>>
    %dma_wait3A_127 = tpu.memref_squeeze %dma_wait3A_126 : memref<1x128xi32, #tpu.memory_space<vmem>> -> memref<128xi32, #tpu.memory_space<vmem>>
    %dma_wait3A_128 = arith.constant 0 : i32
    %dma_wait3A_129 = arith.constant 0 : i32
    %dma_wait3A_130 = tpu.memref_slice %arg3[%dma_wait3A_128, %dma_wait3A_129] : memref<1000000x64xf32, #tpu.memory_space<hbm>> -> memref<1000000x64xf32, #tpu.memory_space<hbm>>
    tpu.wait_indirect_dma semaphore(%arg17 : memref<!tpu.dma_semaphore, #tpu.memory_space<semaphore_mem>>) src(%dma_wait3A_130 : memref<1000000x64xf32, #tpu.memory_space<hbm>>) dst(%arg9 : memref<128x64xf32, #tpu.memory_space<vmem>>)
    %add3A_131 = arith.constant 384 : i32
    %add3A_132 = arith.addi %mul3A_4, %add3A_131 : i32
    %dma_start3A_133 = arith.constant 0 : i32
    %dma_start3A_134 = tpu.memref_slice %arg4[%add3A_132, %dma_start3A_133] : memref<819200x128xf32, #tpu.memory_space<hbm>> -> memref<128x64xf32, #tpu.memory_space<hbm>>
    %dma_start3A_135 = arith.constant 0 : i32
    %dma_start3A_136 = tpu.memref_slice %arg4[%add3A_132, %dma_start3A_135] : memref<819200x128xf32, #tpu.memory_space<hbm>> -> memref<128x64xf32, #tpu.memory_space<hbm>>
    tpu.enqueue_dma source(%arg9 : memref<128x64xf32, #tpu.memory_space<vmem>>) target(%dma_start3A_136 : memref<128x64xf32, #tpu.memory_space<hbm>>) target_semaphore(%arg25 : memref<!tpu.dma_semaphore, #tpu.memory_space<semaphore_mem>>)
    %add3A_137 = arith.constant 256 : i32
    %add3A_138 = arith.addi %mul3A_4, %add3A_137 : i32
    %dma_wait3A_139 = arith.constant 0 : i32
    %dma_wait3A_140 = tpu.memref_slice %arg4[%add3A_138, %dma_wait3A_139] : memref<819200x128xf32, #tpu.memory_space<hbm>> -> memref<128x64xf32, #tpu.memory_space<hbm>>
    %dma_wait3A_141 = arith.constant 0 : i32
    %dma_wait3A_142 = tpu.memref_slice %arg4[%add3A_138, %dma_wait3A_141] : memref<819200x128xf32, #tpu.memory_space<hbm>> -> memref<128x64xf32, #tpu.memory_space<hbm>>
    tpu.wait_dma2 semaphore(%arg24 : memref<!tpu.dma_semaphore, #tpu.memory_space<semaphore_mem>>) src(%arg8 : memref<128x64xf32, #tpu.memory_space<vmem>>) dst(%dma_wait3A_142 : memref<128x64xf32, #tpu.memory_space<hbm>>)
    %dma_start3A_143 = arith.constant 10 : i32
    %dma_start3A_144 = arith.constant 0 : i32
    %dma_start3A_145 = tpu.memref_slice %arg5[%dma_start3A_143, %dma_start3A_144] : memref<200x128xi32, #tpu.memory_space<vmem>> -> memref<1x128xi32, #tpu.memory_space<vmem>>
    %dma_start3A_146 = tpu.memref_squeeze %dma_start3A_145 : memref<1x128xi32, #tpu.memory_space<vmem>> -> memref<128xi32, #tpu.memory_space<vmem>>
    %dma_start3A_147 = arith.constant 0 : i32
    %dma_start3A_148 = arith.constant 0 : i32
    %dma_start3A_149 = tpu.memref_slice %arg3[%dma_start3A_147, %dma_start3A_148] : memref<1000000x64xf32, #tpu.memory_space<hbm>> -> memref<1000000x64xf32, #tpu.memory_space<hbm>>
    tpu.enqueue_indirect_dma source(%dma_start3A_149 : memref<1000000x64xf32, #tpu.memory_space<hbm>>) target(%arg8 : memref<128x64xf32, #tpu.memory_space<vmem>>) offsets(%dma_start3A_146 : memref<128xi32, #tpu.memory_space<vmem>>) semaphore(%arg16 : memref<!tpu.dma_semaphore, #tpu.memory_space<semaphore_mem>>)
    %dma_wait3A_150 = arith.constant 4 : i32
    %dma_wait3A_151 = arith.constant 0 : i32
    %dma_wait3A_152 = tpu.memref_slice %arg5[%dma_wait3A_150, %dma_wait3A_151] : memref<200x128xi32, #tpu.memory_space<vmem>> -> memref<1x128xi32, #tpu.memory_space<vmem>>
    %dma_wait3A_153 = tpu.memref_squeeze %dma_wait3A_152 : memref<1x128xi32, #tpu.memory_space<vmem>> -> memref<128xi32, #tpu.memory_space<vmem>>
    %dma_wait3A_154 = arith.constant 0 : i32
    %dma_wait3A_155 = arith.constant 0 : i32
    %dma_wait3A_156 = tpu.memref_slice %arg3[%dma_wait3A_154, %dma_wait3A_155] : memref<1000000x64xf32, #tpu.memory_space<hbm>> -> memref<1000000x64xf32, #tpu.memory_space<hbm>>
    tpu.wait_indirect_dma semaphore(%arg18 : memref<!tpu.dma_semaphore, #tpu.memory_space<semaphore_mem>>) src(%dma_wait3A_156 : memref<1000000x64xf32, #tpu.memory_space<hbm>>) dst(%arg10 : memref<128x64xf32, #tpu.memory_space<vmem>>)
    %add3A_157 = arith.constant 512 : i32
    %add3A_158 = arith.addi %mul3A_4, %add3A_157 : i32
    %dma_start3A_159 = arith.constant 0 : i32
    %dma_start3A_160 = tpu.memref_slice %arg4[%add3A_158, %dma_start3A_159] : memref<819200x128xf32, #tpu.memory_space<hbm>> -> memref<128x64xf32, #tpu.memory_space<hbm>>
    %dma_start3A_161 = arith.constant 0 : i32
    %dma_start3A_162 = tpu.memref_slice %arg4[%add3A_158, %dma_start3A_161] : memref<819200x128xf32, #tpu.memory_space<hbm>> -> memref<128x64xf32, #tpu.memory_space<hbm>>
    tpu.enqueue_dma source(%arg10 : memref<128x64xf32, #tpu.memory_space<vmem>>) target(%dma_start3A_162 : memref<128x64xf32, #tpu.memory_space<hbm>>) target_semaphore(%arg26 : memref<!tpu.dma_semaphore, #tpu.memory_space<semaphore_mem>>)
    %add3A_163 = arith.constant 384 : i32
    %add3A_164 = arith.addi %mul3A_4, %add3A_163 : i32
    %dma_wait3A_165 = arith.constant 0 : i32
    %dma_wait3A_166 = tpu.memref_slice %arg4[%add3A_164, %dma_wait3A_165] : memref<819200x128xf32, #tpu.memory_space<hbm>> -> memref<128x64xf32, #tpu.memory_space<hbm>>
    %dma_wait3A_167 = arith.constant 0 : i32
    %dma_wait3A_168 = tpu.memref_slice %arg4[%add3A_164, %dma_wait3A_167] : memref<819200x128xf32, #tpu.memory_space<hbm>> -> memref<128x64xf32, #tpu.memory_space<hbm>>
    tpu.wait_dma2 semaphore(%arg25 : memref<!tpu.dma_semaphore, #tpu.memory_space<semaphore_mem>>) src(%arg9 : memref<128x64xf32, #tpu.memory_space<vmem>>) dst(%dma_wait3A_168 : memref<128x64xf32, #tpu.memory_space<hbm>>)
    %dma_start3A_169 = arith.constant 11 : i32
    %dma_start3A_170 = arith.constant 0 : i32
    %dma_start3A_171 = tpu.memref_slice %arg5[%dma_start3A_169, %dma_start3A_170] : memref<200x128xi32, #tpu.memory_space<vmem>> -> memref<1x128xi32, #tpu.memory_space<vmem>>
    %dma_start3A_172 = tpu.memref_squeeze %dma_start3A_171 : memref<1x128xi32, #tpu.memory_space<vmem>> -> memref<128xi32, #tpu.memory_space<vmem>>
    %dma_start3A_173 = arith.constant 0 : i32
    %dma_start3A_174 = arith.constant 0 : i32
    %dma_start3A_175 = tpu.memref_slice %arg3[%dma_start3A_173, %dma_start3A_174] : memref<1000000x64xf32, #tpu.memory_space<hbm>> -> memref<1000000x64xf32, #tpu.memory_space<hbm>>
    tpu.enqueue_indirect_dma source(%dma_start3A_175 : memref<1000000x64xf32, #tpu.memory_space<hbm>>) target(%arg9 : memref<128x64xf32, #tpu.memory_space<vmem>>) offsets(%dma_start3A_172 : memref<128xi32, #tpu.memory_space<vmem>>) semaphore(%arg17 : memref<!tpu.dma_semaphore, #tpu.memory_space<semaphore_mem>>)
    %dma_wait3A_176 = arith.constant 5 : i32
    %dma_wait3A_177 = arith.constant 0 : i32
    %dma_wait3A_178 = tpu.memref_slice %arg5[%dma_wait3A_176, %dma_wait3A_177] : memref<200x128xi32, #tpu.memory_space<vmem>> -> memref<1x128xi32, #tpu.memory_space<vmem>>
    %dma_wait3A_179 = tpu.memref_squeeze %dma_wait3A_178 : memref<1x128xi32, #tpu.memory_space<vmem>> -> memref<128xi32, #tpu.memory_space<vmem>>
    %dma_wait3A_180 = arith.constant 0 : i32
    %dma_wait3A_181 = arith.constant 0 : i32
    %dma_wait3A_182 = tpu.memref_slice %arg3[%dma_wait3A_180, %dma_wait3A_181] : memref<1000000x64xf32, #tpu.memory_space<hbm>> -> memref<1000000x64xf32, #tpu.memory_space<hbm>>
    tpu.wait_indirect_dma semaphore(%arg19 : memref<!tpu.dma_semaphore, #tpu.memory_space<semaphore_mem>>) src(%dma_wait3A_182 : memref<1000000x64xf32, #tpu.memory_space<hbm>>) dst(%arg11 : memref<128x64xf32, #tpu.memory_space<vmem>>)
    %add3A_183 = arith.constant 640 : i32
    %add3A_184 = arith.addi %mul3A_4, %add3A_183 : i32
    %dma_start3A_185 = arith.constant 0 : i32
    %dma_start3A_186 = tpu.memref_slice %arg4[%add3A_184, %dma_start3A_185] : memref<819200x128xf32, #tpu.memory_space<hbm>> -> memref<128x64xf32, #tpu.memory_space<hbm>>
    %dma_start3A_187 = arith.constant 0 : i32
    %dma_start3A_188 = tpu.memref_slice %arg4[%add3A_184, %dma_start3A_187] : memref<819200x128xf32, #tpu.memory_space<hbm>> -> memref<128x64xf32, #tpu.memory_space<hbm>>
    tpu.enqueue_dma source(%arg11 : memref<128x64xf32, #tpu.memory_space<vmem>>) target(%dma_start3A_188 : memref<128x64xf32, #tpu.memory_space<hbm>>) target_semaphore(%arg27 : memref<!tpu.dma_semaphore, #tpu.memory_space<semaphore_mem>>)
    %add3A_189 = arith.constant 512 : i32
    %add3A_190 = arith.addi %mul3A_4, %add3A_189 : i32
    %dma_wait3A_191 = arith.constant 0 : i32
    %dma_wait3A_192 = tpu.memref_slice %arg4[%add3A_190, %dma_wait3A_191] : memref<819200x128xf32, #tpu.memory_space<hbm>> -> memref<128x64xf32, #tpu.memory_space<hbm>>
    %dma_wait3A_193 = arith.constant 0 : i32
    %dma_wait3A_194 = tpu.memref_slice %arg4[%add3A_190, %dma_wait3A_193] : memref<819200x128xf32, #tpu.memory_space<hbm>> -> memref<128x64xf32, #tpu.memory_space<hbm>>
    tpu.wait_dma2 semaphore(%arg26 : memref<!tpu.dma_semaphore, #tpu.memory_space<semaphore_mem>>) src(%arg10 : memref<128x64xf32, #tpu.memory_space<vmem>>) dst(%dma_wait3A_194 : memref<128x64xf32, #tpu.memory_space<hbm>>)
    %dma_start3A_195 = arith.constant 12 : i32
    %dma_start3A_196 = arith.constant 0 : i32
    %dma_start3A_197 = tpu.memref_slice %arg5[%dma_start3A_195, %dma_start3A_196] : memref<200x128xi32, #tpu.memory_space<vmem>> -> memref<1x128xi32, #tpu.memory_space<vmem>>
    %dma_start3A_198 = tpu.memref_squeeze %dma_start3A_197 : memref<1x128xi32, #tpu.memory_space<vmem>> -> memref<128xi32, #tpu.memory_space<vmem>>
    %dma_start3A_199 = arith.constant 0 : i32
    %dma_start3A_200 = arith.constant 0 : i32
    %dma_start3A_201 = tpu.memref_slice %arg3[%dma_start3A_199, %dma_start3A_200] : memref<1000000x64xf32, #tpu.memory_space<hbm>> -> memref<1000000x64xf32, #tpu.memory_space<hbm>>
    tpu.enqueue_indirect_dma source(%dma_start3A_201 : memref<1000000x64xf32, #tpu.memory_space<hbm>>) target(%arg10 : memref<128x64xf32, #tpu.memory_space<vmem>>) offsets(%dma_start3A_198 : memref<128xi32, #tpu.memory_space<vmem>>) semaphore(%arg18 : memref<!tpu.dma_semaphore, #tpu.memory_space<semaphore_mem>>)
    %dma_wait3A_202 = arith.constant 6 : i32
    %dma_wait3A_203 = arith.constant 0 : i32
    %dma_wait3A_204 = tpu.memref_slice %arg5[%dma_wait3A_202, %dma_wait3A_203] : memref<200x128xi32, #tpu.memory_space<vmem>> -> memref<1x128xi32, #tpu.memory_space<vmem>>
    %dma_wait3A_205 = tpu.memref_squeeze %dma_wait3A_204 : memref<1x128xi32, #tpu.memory_space<vmem>> -> memref<128xi32, #tpu.memory_space<vmem>>
    %dma_wait3A_206 = arith.constant 0 : i32
    %dma_wait3A_207 = arith.constant 0 : i32
    %dma_wait3A_208 = tpu.memref_slice %arg3[%dma_wait3A_206, %dma_wait3A_207] : memref<1000000x64xf32, #tpu.memory_space<hbm>> -> memref<1000000x64xf32, #tpu.memory_space<hbm>>
    tpu.wait_indirect_dma semaphore(%arg20 : memref<!tpu.dma_semaphore, #tpu.memory_space<semaphore_mem>>) src(%dma_wait3A_208 : memref<1000000x64xf32, #tpu.memory_space<hbm>>) dst(%arg12 : memref<128x64xf32, #tpu.memory_space<vmem>>)
    %add3A_209 = arith.constant 768 : i32
    %add3A_210 = arith.addi %mul3A_4, %add3A_209 : i32
    %dma_start3A_211 = arith.constant 0 : i32
    %dma_start3A_212 = tpu.memref_slice %arg4[%add3A_210, %dma_start3A_211] : memref<819200x128xf32, #tpu.memory_space<hbm>> -> memref<128x64xf32, #tpu.memory_space<hbm>>
    %dma_start3A_213 = arith.constant 0 : i32
    %dma_start3A_214 = tpu.memref_slice %arg4[%add3A_210, %dma_start3A_213] : memref<819200x128xf32, #tpu.memory_space<hbm>> -> memref<128x64xf32, #tpu.memory_space<hbm>>
    tpu.enqueue_dma source(%arg12 : memref<128x64xf32, #tpu.memory_space<vmem>>) target(%dma_start3A_214 : memref<128x64xf32, #tpu.memory_space<hbm>>) target_semaphore(%arg28 : memref<!tpu.dma_semaphore, #tpu.memory_space<semaphore_mem>>)
    %add3A_215 = arith.constant 640 : i32
    %add3A_216 = arith.addi %mul3A_4, %add3A_215 : i32
    %dma_wait3A_217 = arith.constant 0 : i32
    %dma_wait3A_218 = tpu.memref_slice %arg4[%add3A_216, %dma_wait3A_217] : memref<819200x128xf32, #tpu.memory_space<hbm>> -> memref<128x64xf32, #tpu.memory_space<hbm>>
    %dma_wait3A_219 = arith.constant 0 : i32
    %dma_wait3A_220 = tpu.memref_slice %arg4[%add3A_216, %dma_wait3A_219] : memref<819200x128xf32, #tpu.memory_space<hbm>> -> memref<128x64xf32, #tpu.memory_space<hbm>>
    tpu.wait_dma2 semaphore(%arg27 : memref<!tpu.dma_semaphore, #tpu.memory_space<semaphore_mem>>) src(%arg11 : memref<128x64xf32, #tpu.memory_space<vmem>>) dst(%dma_wait3A_220 : memref<128x64xf32, #tpu.memory_space<hbm>>)
    %dma_start3A_221 = arith.constant 13 : i32
    %dma_start3A_222 = arith.constant 0 : i32
    %dma_start3A_223 = tpu.memref_slice %arg5[%dma_start3A_221, %dma_start3A_222] : memref<200x128xi32, #tpu.memory_space<vmem>> -> memref<1x128xi32, #tpu.memory_space<vmem>>
    %dma_start3A_224 = tpu.memref_squeeze %dma_start3A_223 : memref<1x128xi32, #tpu.memory_space<vmem>> -> memref<128xi32, #tpu.memory_space<vmem>>
    %dma_start3A_225 = arith.constant 0 : i32
    %dma_start3A_226 = arith.constant 0 : i32
    %dma_start3A_227 = tpu.memref_slice %arg3[%dma_start3A_225, %dma_start3A_226] : memref<1000000x64xf32, #tpu.memory_space<hbm>> -> memref<1000000x64xf32, #tpu.memory_space<hbm>>
    tpu.enqueue_indirect_dma source(%dma_start3A_227 : memref<1000000x64xf32, #tpu.memory_space<hbm>>) target(%arg11 : memref<128x64xf32, #tpu.memory_space<vmem>>) offsets(%dma_start3A_224 : memref<128xi32, #tpu.memory_space<vmem>>) semaphore(%arg19 : memref<!tpu.dma_semaphore, #tpu.memory_space<semaphore_mem>>)
    %dma_wait3A_228 = arith.constant 7 : i32
    %dma_wait3A_229 = arith.constant 0 : i32
    %dma_wait3A_230 = tpu.memref_slice %arg5[%dma_wait3A_228, %dma_wait3A_229] : memref<200x128xi32, #tpu.memory_space<vmem>> -> memref<1x128xi32, #tpu.memory_space<vmem>>
    %dma_wait3A_231 = tpu.memref_squeeze %dma_wait3A_230 : memref<1x128xi32, #tpu.memory_space<vmem>> -> memref<128xi32, #tpu.memory_space<vmem>>
    %dma_wait3A_232 = arith.constant 0 : i32
    %dma_wait3A_233 = arith.constant 0 : i32
    %dma_wait3A_234 = tpu.memref_slice %arg3[%dma_wait3A_232, %dma_wait3A_233] : memref<1000000x64xf32, #tpu.memory_space<hbm>> -> memref<1000000x64xf32, #tpu.memory_space<hbm>>
    tpu.wait_indirect_dma semaphore(%arg21 : memref<!tpu.dma_semaphore, #tpu.memory_space<semaphore_mem>>) src(%dma_wait3A_234 : memref<1000000x64xf32, #tpu.memory_space<hbm>>) dst(%arg13 : memref<128x64xf32, #tpu.memory_space<vmem>>)
    %add3A_235 = arith.constant 896 : i32
    %add3A_236 = arith.addi %mul3A_4, %add3A_235 : i32
    %dma_start3A_237 = arith.constant 0 : i32
    %dma_start3A_238 = tpu.memref_slice %arg4[%add3A_236, %dma_start3A_237] : memref<819200x128xf32, #tpu.memory_space<hbm>> -> memref<128x64xf32, #tpu.memory_space<hbm>>
    %dma_start3A_239 = arith.constant 0 : i32
    %dma_start3A_240 = tpu.memref_slice %arg4[%add3A_236, %dma_start3A_239] : memref<819200x128xf32, #tpu.memory_space<hbm>> -> memref<128x64xf32, #tpu.memory_space<hbm>>
    tpu.enqueue_dma source(%arg13 : memref<128x64xf32, #tpu.memory_space<vmem>>) target(%dma_start3A_240 : memref<128x64xf32, #tpu.memory_space<hbm>>) target_semaphore(%arg29 : memref<!tpu.dma_semaphore, #tpu.memory_space<semaphore_mem>>)
    %add3A_241 = arith.constant 768 : i32
    %add3A_242 = arith.addi %mul3A_4, %add3A_241 : i32
    %dma_wait3A_243 = arith.constant 0 : i32
    %dma_wait3A_244 = tpu.memref_slice %arg4[%add3A_242, %dma_wait3A_243] : memref<819200x128xf32, #tpu.memory_space<hbm>> -> memref<128x64xf32, #tpu.memory_space<hbm>>
    %dma_wait3A_245 = arith.constant 0 : i32
    %dma_wait3A_246 = tpu.memref_slice %arg4[%add3A_242, %dma_wait3A_245] : memref<819200x128xf32, #tpu.memory_space<hbm>> -> memref<128x64xf32, #tpu.memory_space<hbm>>
    tpu.wait_dma2 semaphore(%arg28 : memref<!tpu.dma_semaphore, #tpu.memory_space<semaphore_mem>>) src(%arg12 : memref<128x64xf32, #tpu.memory_space<vmem>>) dst(%dma_wait3A_246 : memref<128x64xf32, #tpu.memory_space<hbm>>)
    %dma_start3A_247 = arith.constant 14 : i32
    %dma_start3A_248 = arith.constant 0 : i32
    %dma_start3A_249 = tpu.memref_slice %arg5[%dma_start3A_247, %dma_start3A_248] : memref<200x128xi32, #tpu.memory_space<vmem>> -> memref<1x128xi32, #tpu.memory_space<vmem>>
    %dma_start3A_250 = tpu.memref_squeeze %dma_start3A_249 : memref<1x128xi32, #tpu.memory_space<vmem>> -> memref<128xi32, #tpu.memory_space<vmem>>
    %dma_start3A_251 = arith.constant 0 : i32
    %dma_start3A_252 = arith.constant 0 : i32
    %dma_start3A_253 = tpu.memref_slice %arg3[%dma_start3A_251, %dma_start3A_252] : memref<1000000x64xf32, #tpu.memory_space<hbm>> -> memref<1000000x64xf32, #tpu.memory_space<hbm>>
    tpu.enqueue_indirect_dma source(%dma_start3A_253 : memref<1000000x64xf32, #tpu.memory_space<hbm>>) target(%arg12 : memref<128x64xf32, #tpu.memory_space<vmem>>) offsets(%dma_start3A_250 : memref<128xi32, #tpu.memory_space<vmem>>) semaphore(%arg20 : memref<!tpu.dma_semaphore, #tpu.memory_space<semaphore_mem>>)
    %scan3A = arith.constant 0 : i32
    %scan3A_254 = arith.constant 23 : i32
    %scan3A_255 = arith.addi %scan3A, %scan3A_254 : i32
    %scan3A_256 = arith.constant 1 : i32
    scf.for %scan3A_423 = %scan3A to %scan3A_255 step %scan3A_256  : i32 {
      %mul3A_424 = arith.constant 8 : i32
      %mul3A_425 = arith.muli %scan3A_423, %mul3A_424 : i32
      %add3A_426 = arith.constant 8 : i32
      %add3A_427 = arith.addi %add3A_426, %mul3A_425 : i32
      %add3A_428 = arith.constant 0 : i32
      %add3A_429 = arith.addi %add3A_427, %add3A_428 : i32
      %dma_wait3A_430 = arith.constant 0 : i32
      %dma_wait3A_431 = tpu.memref_slice %arg5[%add3A_429, %dma_wait3A_430] : memref<200x128xi32, #tpu.memory_space<vmem>> -> memref<1x128xi32, #tpu.memory_space<vmem>>
      %dma_wait3A_432 = tpu.memref_squeeze %dma_wait3A_431 : memref<1x128xi32, #tpu.memory_space<vmem>> -> memref<128xi32, #tpu.memory_space<vmem>>
      %dma_wait3A_433 = arith.constant 0 : i32
      %dma_wait3A_434 = arith.constant 0 : i32
      %dma_wait3A_435 = tpu.memref_slice %arg3[%dma_wait3A_433, %dma_wait3A_434] : memref<1000000x64xf32, #tpu.memory_space<hbm>> -> memref<1000000x64xf32, #tpu.memory_space<hbm>>
      tpu.wait_indirect_dma semaphore(%arg14 : memref<!tpu.dma_semaphore, #tpu.memory_space<semaphore_mem>>) src(%dma_wait3A_435 : memref<1000000x64xf32, #tpu.memory_space<hbm>>) dst(%arg6 : memref<128x64xf32, #tpu.memory_space<vmem>>)
      %mul3A_436 = arith.constant 128 : i32
      %mul3A_437 = arith.muli %add3A_429, %mul3A_436 : i32
      %add3A_438 = arith.addi %mul3A_4, %mul3A_437 : i32
      %dma_start3A_439 = arith.constant 0 : i32
      %dma_start3A_440 = tpu.memref_slice %arg4[%add3A_438, %dma_start3A_439] : memref<819200x128xf32, #tpu.memory_space<hbm>> -> memref<128x64xf32, #tpu.memory_space<hbm>>
      %dma_start3A_441 = arith.constant 0 : i32
      %dma_start3A_442 = tpu.memref_slice %arg4[%add3A_438, %dma_start3A_441] : memref<819200x128xf32, #tpu.memory_space<hbm>> -> memref<128x64xf32, #tpu.memory_space<hbm>>
      tpu.enqueue_dma source(%arg6 : memref<128x64xf32, #tpu.memory_space<vmem>>) target(%dma_start3A_442 : memref<128x64xf32, #tpu.memory_space<hbm>>) target_semaphore(%arg22 : memref<!tpu.dma_semaphore, #tpu.memory_space<semaphore_mem>>)
      %sub3A = arith.constant 1 : i32
      %sub3A_443 = arith.subi %add3A_429, %sub3A : i32
      %mul3A_444 = arith.constant 128 : i32
      %mul3A_445 = arith.muli %sub3A_443, %mul3A_444 : i32
      %add3A_446 = arith.addi %mul3A_4, %mul3A_445 : i32
      %dma_wait3A_447 = arith.constant 0 : i32
      %dma_wait3A_448 = tpu.memref_slice %arg4[%add3A_446, %dma_wait3A_447] : memref<819200x128xf32, #tpu.memory_space<hbm>> -> memref<128x64xf32, #tpu.memory_space<hbm>>
      %dma_wait3A_449 = arith.constant 0 : i32
      %dma_wait3A_450 = tpu.memref_slice %arg4[%add3A_446, %dma_wait3A_449] : memref<819200x128xf32, #tpu.memory_space<hbm>> -> memref<128x64xf32, #tpu.memory_space<hbm>>
      tpu.wait_dma2 semaphore(%arg29 : memref<!tpu.dma_semaphore, #tpu.memory_space<semaphore_mem>>) src(%arg13 : memref<128x64xf32, #tpu.memory_space<vmem>>) dst(%dma_wait3A_450 : memref<128x64xf32, #tpu.memory_space<hbm>>)
      %sub3A_451 = arith.constant 1 : i32
      %sub3A_452 = arith.subi %add3A_429, %sub3A_451 : i32
      %add3A_453 = arith.constant 8 : i32
      %add3A_454 = arith.addi %sub3A_452, %add3A_453 : i32
      %dma_start3A_455 = arith.constant 0 : i32
      %dma_start3A_456 = tpu.memref_slice %arg5[%add3A_454, %dma_start3A_455] : memref<200x128xi32, #tpu.memory_space<vmem>> -> memref<1x128xi32, #tpu.memory_space<vmem>>
      %dma_start3A_457 = tpu.memref_squeeze %dma_start3A_456 : memref<1x128xi32, #tpu.memory_space<vmem>> -> memref<128xi32, #tpu.memory_space<vmem>>
      %dma_start3A_458 = arith.constant 0 : i32
      %dma_start3A_459 = arith.constant 0 : i32
      %dma_start3A_460 = tpu.memref_slice %arg3[%dma_start3A_458, %dma_start3A_459] : memref<1000000x64xf32, #tpu.memory_space<hbm>> -> memref<1000000x64xf32, #tpu.memory_space<hbm>>
      tpu.enqueue_indirect_dma source(%dma_start3A_460 : memref<1000000x64xf32, #tpu.memory_space<hbm>>) target(%arg13 : memref<128x64xf32, #tpu.memory_space<vmem>>) offsets(%dma_start3A_457 : memref<128xi32, #tpu.memory_space<vmem>>) semaphore(%arg21 : memref<!tpu.dma_semaphore, #tpu.memory_space<semaphore_mem>>)
      %add3A_461 = arith.constant 1 : i32
      %add3A_462 = arith.addi %add3A_427, %add3A_461 : i32
      %dma_wait3A_463 = arith.constant 0 : i32
      %dma_wait3A_464 = tpu.memref_slice %arg5[%add3A_462, %dma_wait3A_463] : memref<200x128xi32, #tpu.memory_space<vmem>> -> memref<1x128xi32, #tpu.memory_space<vmem>>
      %dma_wait3A_465 = tpu.memref_squeeze %dma_wait3A_464 : memref<1x128xi32, #tpu.memory_space<vmem>> -> memref<128xi32, #tpu.memory_space<vmem>>
      %dma_wait3A_466 = arith.constant 0 : i32
      %dma_wait3A_467 = arith.constant 0 : i32
      %dma_wait3A_468 = tpu.memref_slice %arg3[%dma_wait3A_466, %dma_wait3A_467] : memref<1000000x64xf32, #tpu.memory_space<hbm>> -> memref<1000000x64xf32, #tpu.memory_space<hbm>>
      tpu.wait_indirect_dma semaphore(%arg15 : memref<!tpu.dma_semaphore, #tpu.memory_space<semaphore_mem>>) src(%dma_wait3A_468 : memref<1000000x64xf32, #tpu.memory_space<hbm>>) dst(%arg7 : memref<128x64xf32, #tpu.memory_space<vmem>>)
      %mul3A_469 = arith.constant 128 : i32
      %mul3A_470 = arith.muli %add3A_462, %mul3A_469 : i32
      %add3A_471 = arith.addi %mul3A_4, %mul3A_470 : i32
      %dma_start3A_472 = arith.constant 0 : i32
      %dma_start3A_473 = tpu.memref_slice %arg4[%add3A_471, %dma_start3A_472] : memref<819200x128xf32, #tpu.memory_space<hbm>> -> memref<128x64xf32, #tpu.memory_space<hbm>>
      %dma_start3A_474 = arith.constant 0 : i32
      %dma_start3A_475 = tpu.memref_slice %arg4[%add3A_471, %dma_start3A_474] : memref<819200x128xf32, #tpu.memory_space<hbm>> -> memref<128x64xf32, #tpu.memory_space<hbm>>
      tpu.enqueue_dma source(%arg7 : memref<128x64xf32, #tpu.memory_space<vmem>>) target(%dma_start3A_475 : memref<128x64xf32, #tpu.memory_space<hbm>>) target_semaphore(%arg23 : memref<!tpu.dma_semaphore, #tpu.memory_space<semaphore_mem>>)
      %sub3A_476 = arith.constant 1 : i32
      %sub3A_477 = arith.subi %add3A_462, %sub3A_476 : i32
      %mul3A_478 = arith.constant 128 : i32
      %mul3A_479 = arith.muli %sub3A_477, %mul3A_478 : i32
      %add3A_480 = arith.addi %mul3A_4, %mul3A_479 : i32
      %dma_wait3A_481 = arith.constant 0 : i32
      %dma_wait3A_482 = tpu.memref_slice %arg4[%add3A_480, %dma_wait3A_481] : memref<819200x128xf32, #tpu.memory_space<hbm>> -> memref<128x64xf32, #tpu.memory_space<hbm>>
      %dma_wait3A_483 = arith.constant 0 : i32
      %dma_wait3A_484 = tpu.memref_slice %arg4[%add3A_480, %dma_wait3A_483] : memref<819200x128xf32, #tpu.memory_space<hbm>> -> memref<128x64xf32, #tpu.memory_space<hbm>>
      tpu.wait_dma2 semaphore(%arg22 : memref<!tpu.dma_semaphore, #tpu.memory_space<semaphore_mem>>) src(%arg6 : memref<128x64xf32, #tpu.memory_space<vmem>>) dst(%dma_wait3A_484 : memref<128x64xf32, #tpu.memory_space<hbm>>)
      %sub3A_485 = arith.constant 1 : i32
      %sub3A_486 = arith.subi %add3A_462, %sub3A_485 : i32
      %add3A_487 = arith.constant 8 : i32
      %add3A_488 = arith.addi %sub3A_486, %add3A_487 : i32
      %dma_start3A_489 = arith.constant 0 : i32
      %dma_start3A_490 = tpu.memref_slice %arg5[%add3A_488, %dma_start3A_489] : memref<200x128xi32, #tpu.memory_space<vmem>> -> memref<1x128xi32, #tpu.memory_space<vmem>>
      %dma_start3A_491 = tpu.memref_squeeze %dma_start3A_490 : memref<1x128xi32, #tpu.memory_space<vmem>> -> memref<128xi32, #tpu.memory_space<vmem>>
      %dma_start3A_492 = arith.constant 0 : i32
      %dma_start3A_493 = arith.constant 0 : i32
      %dma_start3A_494 = tpu.memref_slice %arg3[%dma_start3A_492, %dma_start3A_493] : memref<1000000x64xf32, #tpu.memory_space<hbm>> -> memref<1000000x64xf32, #tpu.memory_space<hbm>>
      tpu.enqueue_indirect_dma source(%dma_start3A_494 : memref<1000000x64xf32, #tpu.memory_space<hbm>>) target(%arg6 : memref<128x64xf32, #tpu.memory_space<vmem>>) offsets(%dma_start3A_491 : memref<128xi32, #tpu.memory_space<vmem>>) semaphore(%arg14 : memref<!tpu.dma_semaphore, #tpu.memory_space<semaphore_mem>>)
      %add3A_495 = arith.constant 2 : i32
      %add3A_496 = arith.addi %add3A_427, %add3A_495 : i32
      %dma_wait3A_497 = arith.constant 0 : i32
      %dma_wait3A_498 = tpu.memref_slice %arg5[%add3A_496, %dma_wait3A_497] : memref<200x128xi32, #tpu.memory_space<vmem>> -> memref<1x128xi32, #tpu.memory_space<vmem>>
      %dma_wait3A_499 = tpu.memref_squeeze %dma_wait3A_498 : memref<1x128xi32, #tpu.memory_space<vmem>> -> memref<128xi32, #tpu.memory_space<vmem>>
      %dma_wait3A_500 = arith.constant 0 : i32
      %dma_wait3A_501 = arith.constant 0 : i32
      %dma_wait3A_502 = tpu.memref_slice %arg3[%dma_wait3A_500, %dma_wait3A_501] : memref<1000000x64xf32, #tpu.memory_space<hbm>> -> memref<1000000x64xf32, #tpu.memory_space<hbm>>
      tpu.wait_indirect_dma semaphore(%arg16 : memref<!tpu.dma_semaphore, #tpu.memory_space<semaphore_mem>>) src(%dma_wait3A_502 : memref<1000000x64xf32, #tpu.memory_space<hbm>>) dst(%arg8 : memref<128x64xf32, #tpu.memory_space<vmem>>)
      %mul3A_503 = arith.constant 128 : i32
      %mul3A_504 = arith.muli %add3A_496, %mul3A_503 : i32
      %add3A_505 = arith.addi %mul3A_4, %mul3A_504 : i32
      %dma_start3A_506 = arith.constant 0 : i32
      %dma_start3A_507 = tpu.memref_slice %arg4[%add3A_505, %dma_start3A_506] : memref<819200x128xf32, #tpu.memory_space<hbm>> -> memref<128x64xf32, #tpu.memory_space<hbm>>
      %dma_start3A_508 = arith.constant 0 : i32
      %dma_start3A_509 = tpu.memref_slice %arg4[%add3A_505, %dma_start3A_508] : memref<819200x128xf32, #tpu.memory_space<hbm>> -> memref<128x64xf32, #tpu.memory_space<hbm>>
      tpu.enqueue_dma source(%arg8 : memref<128x64xf32, #tpu.memory_space<vmem>>) target(%dma_start3A_509 : memref<128x64xf32, #tpu.memory_space<hbm>>) target_semaphore(%arg24 : memref<!tpu.dma_semaphore, #tpu.memory_space<semaphore_mem>>)
      %sub3A_510 = arith.constant 1 : i32
      %sub3A_511 = arith.subi %add3A_496, %sub3A_510 : i32
      %mul3A_512 = arith.constant 128 : i32
      %mul3A_513 = arith.muli %sub3A_511, %mul3A_512 : i32
      %add3A_514 = arith.addi %mul3A_4, %mul3A_513 : i32
      %dma_wait3A_515 = arith.constant 0 : i32
      %dma_wait3A_516 = tpu.memref_slice %arg4[%add3A_514, %dma_wait3A_515] : memref<819200x128xf32, #tpu.memory_space<hbm>> -> memref<128x64xf32, #tpu.memory_space<hbm>>
      %dma_wait3A_517 = arith.constant 0 : i32
      %dma_wait3A_518 = tpu.memref_slice %arg4[%add3A_514, %dma_wait3A_517] : memref<819200x128xf32, #tpu.memory_space<hbm>> -> memref<128x64xf32, #tpu.memory_space<hbm>>
      tpu.wait_dma2 semaphore(%arg23 : memref<!tpu.dma_semaphore, #tpu.memory_space<semaphore_mem>>) src(%arg7 : memref<128x64xf32, #tpu.memory_space<vmem>>) dst(%dma_wait3A_518 : memref<128x64xf32, #tpu.memory_space<hbm>>)
      %sub3A_519 = arith.constant 1 : i32
      %sub3A_520 = arith.subi %add3A_496, %sub3A_519 : i32
      %add3A_521 = arith.constant 8 : i32
      %add3A_522 = arith.addi %sub3A_520, %add3A_521 : i32
      %dma_start3A_523 = arith.constant 0 : i32
      %dma_start3A_524 = tpu.memref_slice %arg5[%add3A_522, %dma_start3A_523] : memref<200x128xi32, #tpu.memory_space<vmem>> -> memref<1x128xi32, #tpu.memory_space<vmem>>
      %dma_start3A_525 = tpu.memref_squeeze %dma_start3A_524 : memref<1x128xi32, #tpu.memory_space<vmem>> -> memref<128xi32, #tpu.memory_space<vmem>>
      %dma_start3A_526 = arith.constant 0 : i32
      %dma_start3A_527 = arith.constant 0 : i32
      %dma_start3A_528 = tpu.memref_slice %arg3[%dma_start3A_526, %dma_start3A_527] : memref<1000000x64xf32, #tpu.memory_space<hbm>> -> memref<1000000x64xf32, #tpu.memory_space<hbm>>
      tpu.enqueue_indirect_dma source(%dma_start3A_528 : memref<1000000x64xf32, #tpu.memory_space<hbm>>) target(%arg7 : memref<128x64xf32, #tpu.memory_space<vmem>>) offsets(%dma_start3A_525 : memref<128xi32, #tpu.memory_space<vmem>>) semaphore(%arg15 : memref<!tpu.dma_semaphore, #tpu.memory_space<semaphore_mem>>)
      %add3A_529 = arith.constant 3 : i32
      %add3A_530 = arith.addi %add3A_427, %add3A_529 : i32
      %dma_wait3A_531 = arith.constant 0 : i32
      %dma_wait3A_532 = tpu.memref_slice %arg5[%add3A_530, %dma_wait3A_531] : memref<200x128xi32, #tpu.memory_space<vmem>> -> memref<1x128xi32, #tpu.memory_space<vmem>>
      %dma_wait3A_533 = tpu.memref_squeeze %dma_wait3A_532 : memref<1x128xi32, #tpu.memory_space<vmem>> -> memref<128xi32, #tpu.memory_space<vmem>>
      %dma_wait3A_534 = arith.constant 0 : i32
      %dma_wait3A_535 = arith.constant 0 : i32
      %dma_wait3A_536 = tpu.memref_slice %arg3[%dma_wait3A_534, %dma_wait3A_535] : memref<1000000x64xf32, #tpu.memory_space<hbm>> -> memref<1000000x64xf32, #tpu.memory_space<hbm>>
      tpu.wait_indirect_dma semaphore(%arg17 : memref<!tpu.dma_semaphore, #tpu.memory_space<semaphore_mem>>) src(%dma_wait3A_536 : memref<1000000x64xf32, #tpu.memory_space<hbm>>) dst(%arg9 : memref<128x64xf32, #tpu.memory_space<vmem>>)
      %mul3A_537 = arith.constant 128 : i32
      %mul3A_538 = arith.muli %add3A_530, %mul3A_537 : i32
      %add3A_539 = arith.addi %mul3A_4, %mul3A_538 : i32
      %dma_start3A_540 = arith.constant 0 : i32
      %dma_start3A_541 = tpu.memref_slice %arg4[%add3A_539, %dma_start3A_540] : memref<819200x128xf32, #tpu.memory_space<hbm>> -> memref<128x64xf32, #tpu.memory_space<hbm>>
      %dma_start3A_542 = arith.constant 0 : i32
      %dma_start3A_543 = tpu.memref_slice %arg4[%add3A_539, %dma_start3A_542] : memref<819200x128xf32, #tpu.memory_space<hbm>> -> memref<128x64xf32, #tpu.memory_space<hbm>>
      tpu.enqueue_dma source(%arg9 : memref<128x64xf32, #tpu.memory_space<vmem>>) target(%dma_start3A_543 : memref<128x64xf32, #tpu.memory_space<hbm>>) target_semaphore(%arg25 : memref<!tpu.dma_semaphore, #tpu.memory_space<semaphore_mem>>)
      %sub3A_544 = arith.constant 1 : i32
      %sub3A_545 = arith.subi %add3A_530, %sub3A_544 : i32
      %mul3A_546 = arith.constant 128 : i32
      %mul3A_547 = arith.muli %sub3A_545, %mul3A_546 : i32
      %add3A_548 = arith.addi %mul3A_4, %mul3A_547 : i32
      %dma_wait3A_549 = arith.constant 0 : i32
      %dma_wait3A_550 = tpu.memref_slice %arg4[%add3A_548, %dma_wait3A_549] : memref<819200x128xf32, #tpu.memory_space<hbm>> -> memref<128x64xf32, #tpu.memory_space<hbm>>
      %dma_wait3A_551 = arith.constant 0 : i32
      %dma_wait3A_552 = tpu.memref_slice %arg4[%add3A_548, %dma_wait3A_551] : memref<819200x128xf32, #tpu.memory_space<hbm>> -> memref<128x64xf32, #tpu.memory_space<hbm>>
      tpu.wait_dma2 semaphore(%arg24 : memref<!tpu.dma_semaphore, #tpu.memory_space<semaphore_mem>>) src(%arg8 : memref<128x64xf32, #tpu.memory_space<vmem>>) dst(%dma_wait3A_552 : memref<128x64xf32, #tpu.memory_space<hbm>>)
      %sub3A_553 = arith.constant 1 : i32
      %sub3A_554 = arith.subi %add3A_530, %sub3A_553 : i32
      %add3A_555 = arith.constant 8 : i32
      %add3A_556 = arith.addi %sub3A_554, %add3A_555 : i32
      %dma_start3A_557 = arith.constant 0 : i32
      %dma_start3A_558 = tpu.memref_slice %arg5[%add3A_556, %dma_start3A_557] : memref<200x128xi32, #tpu.memory_space<vmem>> -> memref<1x128xi32, #tpu.memory_space<vmem>>
      %dma_start3A_559 = tpu.memref_squeeze %dma_start3A_558 : memref<1x128xi32, #tpu.memory_space<vmem>> -> memref<128xi32, #tpu.memory_space<vmem>>
      %dma_start3A_560 = arith.constant 0 : i32
      %dma_start3A_561 = arith.constant 0 : i32
      %dma_start3A_562 = tpu.memref_slice %arg3[%dma_start3A_560, %dma_start3A_561] : memref<1000000x64xf32, #tpu.memory_space<hbm>> -> memref<1000000x64xf32, #tpu.memory_space<hbm>>
      tpu.enqueue_indirect_dma source(%dma_start3A_562 : memref<1000000x64xf32, #tpu.memory_space<hbm>>) target(%arg8 : memref<128x64xf32, #tpu.memory_space<vmem>>) offsets(%dma_start3A_559 : memref<128xi32, #tpu.memory_space<vmem>>) semaphore(%arg16 : memref<!tpu.dma_semaphore, #tpu.memory_space<semaphore_mem>>)
      %add3A_563 = arith.constant 4 : i32
      %add3A_564 = arith.addi %add3A_427, %add3A_563 : i32
      %dma_wait3A_565 = arith.constant 0 : i32
      %dma_wait3A_566 = tpu.memref_slice %arg5[%add3A_564, %dma_wait3A_565] : memref<200x128xi32, #tpu.memory_space<vmem>> -> memref<1x128xi32, #tpu.memory_space<vmem>>
      %dma_wait3A_567 = tpu.memref_squeeze %dma_wait3A_566 : memref<1x128xi32, #tpu.memory_space<vmem>> -> memref<128xi32, #tpu.memory_space<vmem>>
      %dma_wait3A_568 = arith.constant 0 : i32
      %dma_wait3A_569 = arith.constant 0 : i32
      %dma_wait3A_570 = tpu.memref_slice %arg3[%dma_wait3A_568, %dma_wait3A_569] : memref<1000000x64xf32, #tpu.memory_space<hbm>> -> memref<1000000x64xf32, #tpu.memory_space<hbm>>
      tpu.wait_indirect_dma semaphore(%arg18 : memref<!tpu.dma_semaphore, #tpu.memory_space<semaphore_mem>>) src(%dma_wait3A_570 : memref<1000000x64xf32, #tpu.memory_space<hbm>>) dst(%arg10 : memref<128x64xf32, #tpu.memory_space<vmem>>)
      %mul3A_571 = arith.constant 128 : i32
      %mul3A_572 = arith.muli %add3A_564, %mul3A_571 : i32
      %add3A_573 = arith.addi %mul3A_4, %mul3A_572 : i32
      %dma_start3A_574 = arith.constant 0 : i32
      %dma_start3A_575 = tpu.memref_slice %arg4[%add3A_573, %dma_start3A_574] : memref<819200x128xf32, #tpu.memory_space<hbm>> -> memref<128x64xf32, #tpu.memory_space<hbm>>
      %dma_start3A_576 = arith.constant 0 : i32
      %dma_start3A_577 = tpu.memref_slice %arg4[%add3A_573, %dma_start3A_576] : memref<819200x128xf32, #tpu.memory_space<hbm>> -> memref<128x64xf32, #tpu.memory_space<hbm>>
      tpu.enqueue_dma source(%arg10 : memref<128x64xf32, #tpu.memory_space<vmem>>) target(%dma_start3A_577 : memref<128x64xf32, #tpu.memory_space<hbm>>) target_semaphore(%arg26 : memref<!tpu.dma_semaphore, #tpu.memory_space<semaphore_mem>>)
      %sub3A_578 = arith.constant 1 : i32
      %sub3A_579 = arith.subi %add3A_564, %sub3A_578 : i32
      %mul3A_580 = arith.constant 128 : i32
      %mul3A_581 = arith.muli %sub3A_579, %mul3A_580 : i32
      %add3A_582 = arith.addi %mul3A_4, %mul3A_581 : i32
      %dma_wait3A_583 = arith.constant 0 : i32
      %dma_wait3A_584 = tpu.memref_slice %arg4[%add3A_582, %dma_wait3A_583] : memref<819200x128xf32, #tpu.memory_space<hbm>> -> memref<128x64xf32, #tpu.memory_space<hbm>>
      %dma_wait3A_585 = arith.constant 0 : i32
      %dma_wait3A_586 = tpu.memref_slice %arg4[%add3A_582, %dma_wait3A_585] : memref<819200x128xf32, #tpu.memory_space<hbm>> -> memref<128x64xf32, #tpu.memory_space<hbm>>
      tpu.wait_dma2 semaphore(%arg25 : memref<!tpu.dma_semaphore, #tpu.memory_space<semaphore_mem>>) src(%arg9 : memref<128x64xf32, #tpu.memory_space<vmem>>) dst(%dma_wait3A_586 : memref<128x64xf32, #tpu.memory_space<hbm>>)
      %sub3A_587 = arith.constant 1 : i32
      %sub3A_588 = arith.subi %add3A_564, %sub3A_587 : i32
      %add3A_589 = arith.constant 8 : i32
      %add3A_590 = arith.addi %sub3A_588, %add3A_589 : i32
      %dma_start3A_591 = arith.constant 0 : i32
      %dma_start3A_592 = tpu.memref_slice %arg5[%add3A_590, %dma_start3A_591] : memref<200x128xi32, #tpu.memory_space<vmem>> -> memref<1x128xi32, #tpu.memory_space<vmem>>
      %dma_start3A_593 = tpu.memref_squeeze %dma_start3A_592 : memref<1x128xi32, #tpu.memory_space<vmem>> -> memref<128xi32, #tpu.memory_space<vmem>>
      %dma_start3A_594 = arith.constant 0 : i32
      %dma_start3A_595 = arith.constant 0 : i32
      %dma_start3A_596 = tpu.memref_slice %arg3[%dma_start3A_594, %dma_start3A_595] : memref<1000000x64xf32, #tpu.memory_space<hbm>> -> memref<1000000x64xf32, #tpu.memory_space<hbm>>
      tpu.enqueue_indirect_dma source(%dma_start3A_596 : memref<1000000x64xf32, #tpu.memory_space<hbm>>) target(%arg9 : memref<128x64xf32, #tpu.memory_space<vmem>>) offsets(%dma_start3A_593 : memref<128xi32, #tpu.memory_space<vmem>>) semaphore(%arg17 : memref<!tpu.dma_semaphore, #tpu.memory_space<semaphore_mem>>)
      %add3A_597 = arith.constant 5 : i32
      %add3A_598 = arith.addi %add3A_427, %add3A_597 : i32
      %dma_wait3A_599 = arith.constant 0 : i32
      %dma_wait3A_600 = tpu.memref_slice %arg5[%add3A_598, %dma_wait3A_599] : memref<200x128xi32, #tpu.memory_space<vmem>> -> memref<1x128xi32, #tpu.memory_space<vmem>>
      %dma_wait3A_601 = tpu.memref_squeeze %dma_wait3A_600 : memref<1x128xi32, #tpu.memory_space<vmem>> -> memref<128xi32, #tpu.memory_space<vmem>>
      %dma_wait3A_602 = arith.constant 0 : i32
      %dma_wait3A_603 = arith.constant 0 : i32
      %dma_wait3A_604 = tpu.memref_slice %arg3[%dma_wait3A_602, %dma_wait3A_603] : memref<1000000x64xf32, #tpu.memory_space<hbm>> -> memref<1000000x64xf32, #tpu.memory_space<hbm>>
      tpu.wait_indirect_dma semaphore(%arg19 : memref<!tpu.dma_semaphore, #tpu.memory_space<semaphore_mem>>) src(%dma_wait3A_604 : memref<1000000x64xf32, #tpu.memory_space<hbm>>) dst(%arg11 : memref<128x64xf32, #tpu.memory_space<vmem>>)
      %mul3A_605 = arith.constant 128 : i32
      %mul3A_606 = arith.muli %add3A_598, %mul3A_605 : i32
      %add3A_607 = arith.addi %mul3A_4, %mul3A_606 : i32
      %dma_start3A_608 = arith.constant 0 : i32
      %dma_start3A_609 = tpu.memref_slice %arg4[%add3A_607, %dma_start3A_608] : memref<819200x128xf32, #tpu.memory_space<hbm>> -> memref<128x64xf32, #tpu.memory_space<hbm>>
      %dma_start3A_610 = arith.constant 0 : i32
      %dma_start3A_611 = tpu.memref_slice %arg4[%add3A_607, %dma_start3A_610] : memref<819200x128xf32, #tpu.memory_space<hbm>> -> memref<128x64xf32, #tpu.memory_space<hbm>>
      tpu.enqueue_dma source(%arg11 : memref<128x64xf32, #tpu.memory_space<vmem>>) target(%dma_start3A_611 : memref<128x64xf32, #tpu.memory_space<hbm>>) target_semaphore(%arg27 : memref<!tpu.dma_semaphore, #tpu.memory_space<semaphore_mem>>)
      %sub3A_612 = arith.constant 1 : i32
      %sub3A_613 = arith.subi %add3A_598, %sub3A_612 : i32
      %mul3A_614 = arith.constant 128 : i32
      %mul3A_615 = arith.muli %sub3A_613, %mul3A_614 : i32
      %add3A_616 = arith.addi %mul3A_4, %mul3A_615 : i32
      %dma_wait3A_617 = arith.constant 0 : i32
      %dma_wait3A_618 = tpu.memref_slice %arg4[%add3A_616, %dma_wait3A_617] : memref<819200x128xf32, #tpu.memory_space<hbm>> -> memref<128x64xf32, #tpu.memory_space<hbm>>
      %dma_wait3A_619 = arith.constant 0 : i32
      %dma_wait3A_620 = tpu.memref_slice %arg4[%add3A_616, %dma_wait3A_619] : memref<819200x128xf32, #tpu.memory_space<hbm>> -> memref<128x64xf32, #tpu.memory_space<hbm>>
      tpu.wait_dma2 semaphore(%arg26 : memref<!tpu.dma_semaphore, #tpu.memory_space<semaphore_mem>>) src(%arg10 : memref<128x64xf32, #tpu.memory_space<vmem>>) dst(%dma_wait3A_620 : memref<128x64xf32, #tpu.memory_space<hbm>>)
      %sub3A_621 = arith.constant 1 : i32
      %sub3A_622 = arith.subi %add3A_598, %sub3A_621 : i32
      %add3A_623 = arith.constant 8 : i32
      %add3A_624 = arith.addi %sub3A_622, %add3A_623 : i32
      %dma_start3A_625 = arith.constant 0 : i32
      %dma_start3A_626 = tpu.memref_slice %arg5[%add3A_624, %dma_start3A_625] : memref<200x128xi32, #tpu.memory_space<vmem>> -> memref<1x128xi32, #tpu.memory_space<vmem>>
      %dma_start3A_627 = tpu.memref_squeeze %dma_start3A_626 : memref<1x128xi32, #tpu.memory_space<vmem>> -> memref<128xi32, #tpu.memory_space<vmem>>
      %dma_start3A_628 = arith.constant 0 : i32
      %dma_start3A_629 = arith.constant 0 : i32
      %dma_start3A_630 = tpu.memref_slice %arg3[%dma_start3A_628, %dma_start3A_629] : memref<1000000x64xf32, #tpu.memory_space<hbm>> -> memref<1000000x64xf32, #tpu.memory_space<hbm>>
      tpu.enqueue_indirect_dma source(%dma_start3A_630 : memref<1000000x64xf32, #tpu.memory_space<hbm>>) target(%arg10 : memref<128x64xf32, #tpu.memory_space<vmem>>) offsets(%dma_start3A_627 : memref<128xi32, #tpu.memory_space<vmem>>) semaphore(%arg18 : memref<!tpu.dma_semaphore, #tpu.memory_space<semaphore_mem>>)
      %add3A_631 = arith.constant 6 : i32
      %add3A_632 = arith.addi %add3A_427, %add3A_631 : i32
      %dma_wait3A_633 = arith.constant 0 : i32
      %dma_wait3A_634 = tpu.memref_slice %arg5[%add3A_632, %dma_wait3A_633] : memref<200x128xi32, #tpu.memory_space<vmem>> -> memref<1x128xi32, #tpu.memory_space<vmem>>
      %dma_wait3A_635 = tpu.memref_squeeze %dma_wait3A_634 : memref<1x128xi32, #tpu.memory_space<vmem>> -> memref<128xi32, #tpu.memory_space<vmem>>
      %dma_wait3A_636 = arith.constant 0 : i32
      %dma_wait3A_637 = arith.constant 0 : i32
      %dma_wait3A_638 = tpu.memref_slice %arg3[%dma_wait3A_636, %dma_wait3A_637] : memref<1000000x64xf32, #tpu.memory_space<hbm>> -> memref<1000000x64xf32, #tpu.memory_space<hbm>>
      tpu.wait_indirect_dma semaphore(%arg20 : memref<!tpu.dma_semaphore, #tpu.memory_space<semaphore_mem>>) src(%dma_wait3A_638 : memref<1000000x64xf32, #tpu.memory_space<hbm>>) dst(%arg12 : memref<128x64xf32, #tpu.memory_space<vmem>>)
      %mul3A_639 = arith.constant 128 : i32
      %mul3A_640 = arith.muli %add3A_632, %mul3A_639 : i32
      %add3A_641 = arith.addi %mul3A_4, %mul3A_640 : i32
      %dma_start3A_642 = arith.constant 0 : i32
      %dma_start3A_643 = tpu.memref_slice %arg4[%add3A_641, %dma_start3A_642] : memref<819200x128xf32, #tpu.memory_space<hbm>> -> memref<128x64xf32, #tpu.memory_space<hbm>>
      %dma_start3A_644 = arith.constant 0 : i32
      %dma_start3A_645 = tpu.memref_slice %arg4[%add3A_641, %dma_start3A_644] : memref<819200x128xf32, #tpu.memory_space<hbm>> -> memref<128x64xf32, #tpu.memory_space<hbm>>
      tpu.enqueue_dma source(%arg12 : memref<128x64xf32, #tpu.memory_space<vmem>>) target(%dma_start3A_645 : memref<128x64xf32, #tpu.memory_space<hbm>>) target_semaphore(%arg28 : memref<!tpu.dma_semaphore, #tpu.memory_space<semaphore_mem>>)
      %sub3A_646 = arith.constant 1 : i32
      %sub3A_647 = arith.subi %add3A_632, %sub3A_646 : i32
      %mul3A_648 = arith.constant 128 : i32
      %mul3A_649 = arith.muli %sub3A_647, %mul3A_648 : i32
      %add3A_650 = arith.addi %mul3A_4, %mul3A_649 : i32
      %dma_wait3A_651 = arith.constant 0 : i32
      %dma_wait3A_652 = tpu.memref_slice %arg4[%add3A_650, %dma_wait3A_651] : memref<819200x128xf32, #tpu.memory_space<hbm>> -> memref<128x64xf32, #tpu.memory_space<hbm>>
      %dma_wait3A_653 = arith.constant 0 : i32
      %dma_wait3A_654 = tpu.memref_slice %arg4[%add3A_650, %dma_wait3A_653] : memref<819200x128xf32, #tpu.memory_space<hbm>> -> memref<128x64xf32, #tpu.memory_space<hbm>>
      tpu.wait_dma2 semaphore(%arg27 : memref<!tpu.dma_semaphore, #tpu.memory_space<semaphore_mem>>) src(%arg11 : memref<128x64xf32, #tpu.memory_space<vmem>>) dst(%dma_wait3A_654 : memref<128x64xf32, #tpu.memory_space<hbm>>)
      %sub3A_655 = arith.constant 1 : i32
      %sub3A_656 = arith.subi %add3A_632, %sub3A_655 : i32
      %add3A_657 = arith.constant 8 : i32
      %add3A_658 = arith.addi %sub3A_656, %add3A_657 : i32
      %dma_start3A_659 = arith.constant 0 : i32
      %dma_start3A_660 = tpu.memref_slice %arg5[%add3A_658, %dma_start3A_659] : memref<200x128xi32, #tpu.memory_space<vmem>> -> memref<1x128xi32, #tpu.memory_space<vmem>>
      %dma_start3A_661 = tpu.memref_squeeze %dma_start3A_660 : memref<1x128xi32, #tpu.memory_space<vmem>> -> memref<128xi32, #tpu.memory_space<vmem>>
      %dma_start3A_662 = arith.constant 0 : i32
      %dma_start3A_663 = arith.constant 0 : i32
      %dma_start3A_664 = tpu.memref_slice %arg3[%dma_start3A_662, %dma_start3A_663] : memref<1000000x64xf32, #tpu.memory_space<hbm>> -> memref<1000000x64xf32, #tpu.memory_space<hbm>>
      tpu.enqueue_indirect_dma source(%dma_start3A_664 : memref<1000000x64xf32, #tpu.memory_space<hbm>>) target(%arg11 : memref<128x64xf32, #tpu.memory_space<vmem>>) offsets(%dma_start3A_661 : memref<128xi32, #tpu.memory_space<vmem>>) semaphore(%arg19 : memref<!tpu.dma_semaphore, #tpu.memory_space<semaphore_mem>>)
      %add3A_665 = arith.constant 7 : i32
      %add3A_666 = arith.addi %add3A_427, %add3A_665 : i32
      %dma_wait3A_667 = arith.constant 0 : i32
      %dma_wait3A_668 = tpu.memref_slice %arg5[%add3A_666, %dma_wait3A_667] : memref<200x128xi32, #tpu.memory_space<vmem>> -> memref<1x128xi32, #tpu.memory_space<vmem>>
      %dma_wait3A_669 = tpu.memref_squeeze %dma_wait3A_668 : memref<1x128xi32, #tpu.memory_space<vmem>> -> memref<128xi32, #tpu.memory_space<vmem>>
      %dma_wait3A_670 = arith.constant 0 : i32
      %dma_wait3A_671 = arith.constant 0 : i32
      %dma_wait3A_672 = tpu.memref_slice %arg3[%dma_wait3A_670, %dma_wait3A_671] : memref<1000000x64xf32, #tpu.memory_space<hbm>> -> memref<1000000x64xf32, #tpu.memory_space<hbm>>
      tpu.wait_indirect_dma semaphore(%arg21 : memref<!tpu.dma_semaphore, #tpu.memory_space<semaphore_mem>>) src(%dma_wait3A_672 : memref<1000000x64xf32, #tpu.memory_space<hbm>>) dst(%arg13 : memref<128x64xf32, #tpu.memory_space<vmem>>)
      %mul3A_673 = arith.constant 128 : i32
      %mul3A_674 = arith.muli %add3A_666, %mul3A_673 : i32
      %add3A_675 = arith.addi %mul3A_4, %mul3A_674 : i32
      %dma_start3A_676 = arith.constant 0 : i32
      %dma_start3A_677 = tpu.memref_slice %arg4[%add3A_675, %dma_start3A_676] : memref<819200x128xf32, #tpu.memory_space<hbm>> -> memref<128x64xf32, #tpu.memory_space<hbm>>
      %dma_start3A_678 = arith.constant 0 : i32
      %dma_start3A_679 = tpu.memref_slice %arg4[%add3A_675, %dma_start3A_678] : memref<819200x128xf32, #tpu.memory_space<hbm>> -> memref<128x64xf32, #tpu.memory_space<hbm>>
      tpu.enqueue_dma source(%arg13 : memref<128x64xf32, #tpu.memory_space<vmem>>) target(%dma_start3A_679 : memref<128x64xf32, #tpu.memory_space<hbm>>) target_semaphore(%arg29 : memref<!tpu.dma_semaphore, #tpu.memory_space<semaphore_mem>>)
      %sub3A_680 = arith.constant 1 : i32
      %sub3A_681 = arith.subi %add3A_666, %sub3A_680 : i32
      %mul3A_682 = arith.constant 128 : i32
      %mul3A_683 = arith.muli %sub3A_681, %mul3A_682 : i32
      %add3A_684 = arith.addi %mul3A_4, %mul3A_683 : i32
      %dma_wait3A_685 = arith.constant 0 : i32
      %dma_wait3A_686 = tpu.memref_slice %arg4[%add3A_684, %dma_wait3A_685] : memref<819200x128xf32, #tpu.memory_space<hbm>> -> memref<128x64xf32, #tpu.memory_space<hbm>>
      %dma_wait3A_687 = arith.constant 0 : i32
      %dma_wait3A_688 = tpu.memref_slice %arg4[%add3A_684, %dma_wait3A_687] : memref<819200x128xf32, #tpu.memory_space<hbm>> -> memref<128x64xf32, #tpu.memory_space<hbm>>
      tpu.wait_dma2 semaphore(%arg28 : memref<!tpu.dma_semaphore, #tpu.memory_space<semaphore_mem>>) src(%arg12 : memref<128x64xf32, #tpu.memory_space<vmem>>) dst(%dma_wait3A_688 : memref<128x64xf32, #tpu.memory_space<hbm>>)
      %sub3A_689 = arith.constant 1 : i32
      %sub3A_690 = arith.subi %add3A_666, %sub3A_689 : i32
      %add3A_691 = arith.constant 8 : i32
      %add3A_692 = arith.addi %sub3A_690, %add3A_691 : i32
      %dma_start3A_693 = arith.constant 0 : i32
      %dma_start3A_694 = tpu.memref_slice %arg5[%add3A_692, %dma_start3A_693] : memref<200x128xi32, #tpu.memory_space<vmem>> -> memref<1x128xi32, #tpu.memory_space<vmem>>
      %dma_start3A_695 = tpu.memref_squeeze %dma_start3A_694 : memref<1x128xi32, #tpu.memory_space<vmem>> -> memref<128xi32, #tpu.memory_space<vmem>>
      %dma_start3A_696 = arith.constant 0 : i32
      %dma_start3A_697 = arith.constant 0 : i32
      %dma_start3A_698 = tpu.memref_slice %arg3[%dma_start3A_696, %dma_start3A_697] : memref<1000000x64xf32, #tpu.memory_space<hbm>> -> memref<1000000x64xf32, #tpu.memory_space<hbm>>
      tpu.enqueue_indirect_dma source(%dma_start3A_698 : memref<1000000x64xf32, #tpu.memory_space<hbm>>) target(%arg12 : memref<128x64xf32, #tpu.memory_space<vmem>>) offsets(%dma_start3A_695 : memref<128xi32, #tpu.memory_space<vmem>>) semaphore(%arg20 : memref<!tpu.dma_semaphore, #tpu.memory_space<semaphore_mem>>)
    }
    %scan3A_257 = arith.constant 23 : i32
    %dma_wait3A_258 = arith.constant 192 : i32
    %dma_wait3A_259 = arith.constant 0 : i32
    %dma_wait3A_260 = tpu.memref_slice %arg5[%dma_wait3A_258, %dma_wait3A_259] : memref<200x128xi32, #tpu.memory_space<vmem>> -> memref<1x128xi32, #tpu.memory_space<vmem>>
    %dma_wait3A_261 = tpu.memref_squeeze %dma_wait3A_260 : memref<1x128xi32, #tpu.memory_space<vmem>> -> memref<128xi32, #tpu.memory_space<vmem>>
    %dma_wait3A_262 = arith.constant 0 : i32
    %dma_wait3A_263 = arith.constant 0 : i32
    %dma_wait3A_264 = tpu.memref_slice %arg3[%dma_wait3A_262, %dma_wait3A_263] : memref<1000000x64xf32, #tpu.memory_space<hbm>> -> memref<1000000x64xf32, #tpu.memory_space<hbm>>
    tpu.wait_indirect_dma semaphore(%arg14 : memref<!tpu.dma_semaphore, #tpu.memory_space<semaphore_mem>>) src(%dma_wait3A_264 : memref<1000000x64xf32, #tpu.memory_space<hbm>>) dst(%arg6 : memref<128x64xf32, #tpu.memory_space<vmem>>)
    %add3A_265 = arith.constant 24576 : i32
    %add3A_266 = arith.addi %mul3A_4, %add3A_265 : i32
    %dma_start3A_267 = arith.constant 0 : i32
    %dma_start3A_268 = tpu.memref_slice %arg4[%add3A_266, %dma_start3A_267] : memref<819200x128xf32, #tpu.memory_space<hbm>> -> memref<128x64xf32, #tpu.memory_space<hbm>>
    %dma_start3A_269 = arith.constant 0 : i32
    %dma_start3A_270 = tpu.memref_slice %arg4[%add3A_266, %dma_start3A_269] : memref<819200x128xf32, #tpu.memory_space<hbm>> -> memref<128x64xf32, #tpu.memory_space<hbm>>
    tpu.enqueue_dma source(%arg6 : memref<128x64xf32, #tpu.memory_space<vmem>>) target(%dma_start3A_270 : memref<128x64xf32, #tpu.memory_space<hbm>>) target_semaphore(%arg22 : memref<!tpu.dma_semaphore, #tpu.memory_space<semaphore_mem>>)
    %add3A_271 = arith.constant 24448 : i32
    %add3A_272 = arith.addi %mul3A_4, %add3A_271 : i32
    %dma_wait3A_273 = arith.constant 0 : i32
    %dma_wait3A_274 = tpu.memref_slice %arg4[%add3A_272, %dma_wait3A_273] : memref<819200x128xf32, #tpu.memory_space<hbm>> -> memref<128x64xf32, #tpu.memory_space<hbm>>
    %dma_wait3A_275 = arith.constant 0 : i32
    %dma_wait3A_276 = tpu.memref_slice %arg4[%add3A_272, %dma_wait3A_275] : memref<819200x128xf32, #tpu.memory_space<hbm>> -> memref<128x64xf32, #tpu.memory_space<hbm>>
    tpu.wait_dma2 semaphore(%arg29 : memref<!tpu.dma_semaphore, #tpu.memory_space<semaphore_mem>>) src(%arg13 : memref<128x64xf32, #tpu.memory_space<vmem>>) dst(%dma_wait3A_276 : memref<128x64xf32, #tpu.memory_space<hbm>>)
    %dma_start3A_277 = arith.constant 199 : i32
    %dma_start3A_278 = arith.constant 0 : i32
    %dma_start3A_279 = tpu.memref_slice %arg5[%dma_start3A_277, %dma_start3A_278] : memref<200x128xi32, #tpu.memory_space<vmem>> -> memref<1x128xi32, #tpu.memory_space<vmem>>
    %dma_start3A_280 = tpu.memref_squeeze %dma_start3A_279 : memref<1x128xi32, #tpu.memory_space<vmem>> -> memref<128xi32, #tpu.memory_space<vmem>>
    %dma_start3A_281 = arith.constant 0 : i32
    %dma_start3A_282 = arith.constant 0 : i32
    %dma_start3A_283 = tpu.memref_slice %arg3[%dma_start3A_281, %dma_start3A_282] : memref<1000000x64xf32, #tpu.memory_space<hbm>> -> memref<1000000x64xf32, #tpu.memory_space<hbm>>
    tpu.enqueue_indirect_dma source(%dma_start3A_283 : memref<1000000x64xf32, #tpu.memory_space<hbm>>) target(%arg13 : memref<128x64xf32, #tpu.memory_space<vmem>>) offsets(%dma_start3A_280 : memref<128xi32, #tpu.memory_space<vmem>>) semaphore(%arg21 : memref<!tpu.dma_semaphore, #tpu.memory_space<semaphore_mem>>)
    %dma_wait3A_284 = arith.constant 193 : i32
    %dma_wait3A_285 = arith.constant 0 : i32
    %dma_wait3A_286 = tpu.memref_slice %arg5[%dma_wait3A_284, %dma_wait3A_285] : memref<200x128xi32, #tpu.memory_space<vmem>> -> memref<1x128xi32, #tpu.memory_space<vmem>>
    %dma_wait3A_287 = tpu.memref_squeeze %dma_wait3A_286 : memref<1x128xi32, #tpu.memory_space<vmem>> -> memref<128xi32, #tpu.memory_space<vmem>>
    %dma_wait3A_288 = arith.constant 0 : i32
    %dma_wait3A_289 = arith.constant 0 : i32
    %dma_wait3A_290 = tpu.memref_slice %arg3[%dma_wait3A_288, %dma_wait3A_289] : memref<1000000x64xf32, #tpu.memory_space<hbm>> -> memref<1000000x64xf32, #tpu.memory_space<hbm>>
    tpu.wait_indirect_dma semaphore(%arg15 : memref<!tpu.dma_semaphore, #tpu.memory_space<semaphore_mem>>) src(%dma_wait3A_290 : memref<1000000x64xf32, #tpu.memory_space<hbm>>) dst(%arg7 : memref<128x64xf32, #tpu.memory_space<vmem>>)
    %add3A_291 = arith.constant 24704 : i32
    %add3A_292 = arith.addi %mul3A_4, %add3A_291 : i32
    %dma_start3A_293 = arith.constant 0 : i32
    %dma_start3A_294 = tpu.memref_slice %arg4[%add3A_292, %dma_start3A_293] : memref<819200x128xf32, #tpu.memory_space<hbm>> -> memref<128x64xf32, #tpu.memory_space<hbm>>
    %dma_start3A_295 = arith.constant 0 : i32
    %dma_start3A_296 = tpu.memref_slice %arg4[%add3A_292, %dma_start3A_295] : memref<819200x128xf32, #tpu.memory_space<hbm>> -> memref<128x64xf32, #tpu.memory_space<hbm>>
    tpu.enqueue_dma source(%arg7 : memref<128x64xf32, #tpu.memory_space<vmem>>) target(%dma_start3A_296 : memref<128x64xf32, #tpu.memory_space<hbm>>) target_semaphore(%arg23 : memref<!tpu.dma_semaphore, #tpu.memory_space<semaphore_mem>>)
    %add3A_297 = arith.constant 24576 : i32
    %add3A_298 = arith.addi %mul3A_4, %add3A_297 : i32
    %dma_wait3A_299 = arith.constant 0 : i32
    %dma_wait3A_300 = tpu.memref_slice %arg4[%add3A_298, %dma_wait3A_299] : memref<819200x128xf32, #tpu.memory_space<hbm>> -> memref<128x64xf32, #tpu.memory_space<hbm>>
    %dma_wait3A_301 = arith.constant 0 : i32
    %dma_wait3A_302 = tpu.memref_slice %arg4[%add3A_298, %dma_wait3A_301] : memref<819200x128xf32, #tpu.memory_space<hbm>> -> memref<128x64xf32, #tpu.memory_space<hbm>>
    tpu.wait_dma2 semaphore(%arg22 : memref<!tpu.dma_semaphore, #tpu.memory_space<semaphore_mem>>) src(%arg6 : memref<128x64xf32, #tpu.memory_space<vmem>>) dst(%dma_wait3A_302 : memref<128x64xf32, #tpu.memory_space<hbm>>)
    %dma_wait3A_303 = arith.constant 194 : i32
    %dma_wait3A_304 = arith.constant 0 : i32
    %dma_wait3A_305 = tpu.memref_slice %arg5[%dma_wait3A_303, %dma_wait3A_304] : memref<200x128xi32, #tpu.memory_space<vmem>> -> memref<1x128xi32, #tpu.memory_space<vmem>>
    %dma_wait3A_306 = tpu.memref_squeeze %dma_wait3A_305 : memref<1x128xi32, #tpu.memory_space<vmem>> -> memref<128xi32, #tpu.memory_space<vmem>>
    %dma_wait3A_307 = arith.constant 0 : i32
    %dma_wait3A_308 = arith.constant 0 : i32
    %dma_wait3A_309 = tpu.memref_slice %arg3[%dma_wait3A_307, %dma_wait3A_308] : memref<1000000x64xf32, #tpu.memory_space<hbm>> -> memref<1000000x64xf32, #tpu.memory_space<hbm>>
    tpu.wait_indirect_dma semaphore(%arg16 : memref<!tpu.dma_semaphore, #tpu.memory_space<semaphore_mem>>) src(%dma_wait3A_309 : memref<1000000x64xf32, #tpu.memory_space<hbm>>) dst(%arg8 : memref<128x64xf32, #tpu.memory_space<vmem>>)
    %add3A_310 = arith.constant 24832 : i32
    %add3A_311 = arith.addi %mul3A_4, %add3A_310 : i32
    %dma_start3A_312 = arith.constant 0 : i32
    %dma_start3A_313 = tpu.memref_slice %arg4[%add3A_311, %dma_start3A_312] : memref<819200x128xf32, #tpu.memory_space<hbm>> -> memref<128x64xf32, #tpu.memory_space<hbm>>
    %dma_start3A_314 = arith.constant 0 : i32
    %dma_start3A_315 = tpu.memref_slice %arg4[%add3A_311, %dma_start3A_314] : memref<819200x128xf32, #tpu.memory_space<hbm>> -> memref<128x64xf32, #tpu.memory_space<hbm>>
    tpu.enqueue_dma source(%arg8 : memref<128x64xf32, #tpu.memory_space<vmem>>) target(%dma_start3A_315 : memref<128x64xf32, #tpu.memory_space<hbm>>) target_semaphore(%arg24 : memref<!tpu.dma_semaphore, #tpu.memory_space<semaphore_mem>>)
    %add3A_316 = arith.constant 24704 : i32
    %add3A_317 = arith.addi %mul3A_4, %add3A_316 : i32
    %dma_wait3A_318 = arith.constant 0 : i32
    %dma_wait3A_319 = tpu.memref_slice %arg4[%add3A_317, %dma_wait3A_318] : memref<819200x128xf32, #tpu.memory_space<hbm>> -> memref<128x64xf32, #tpu.memory_space<hbm>>
    %dma_wait3A_320 = arith.constant 0 : i32
    %dma_wait3A_321 = tpu.memref_slice %arg4[%add3A_317, %dma_wait3A_320] : memref<819200x128xf32, #tpu.memory_space<hbm>> -> memref<128x64xf32, #tpu.memory_space<hbm>>
    tpu.wait_dma2 semaphore(%arg23 : memref<!tpu.dma_semaphore, #tpu.memory_space<semaphore_mem>>) src(%arg7 : memref<128x64xf32, #tpu.memory_space<vmem>>) dst(%dma_wait3A_321 : memref<128x64xf32, #tpu.memory_space<hbm>>)
    %dma_wait3A_322 = arith.constant 195 : i32
    %dma_wait3A_323 = arith.constant 0 : i32
    %dma_wait3A_324 = tpu.memref_slice %arg5[%dma_wait3A_322, %dma_wait3A_323] : memref<200x128xi32, #tpu.memory_space<vmem>> -> memref<1x128xi32, #tpu.memory_space<vmem>>
    %dma_wait3A_325 = tpu.memref_squeeze %dma_wait3A_324 : memref<1x128xi32, #tpu.memory_space<vmem>> -> memref<128xi32, #tpu.memory_space<vmem>>
    %dma_wait3A_326 = arith.constant 0 : i32
    %dma_wait3A_327 = arith.constant 0 : i32
    %dma_wait3A_328 = tpu.memref_slice %arg3[%dma_wait3A_326, %dma_wait3A_327] : memref<1000000x64xf32, #tpu.memory_space<hbm>> -> memref<1000000x64xf32, #tpu.memory_space<hbm>>
    tpu.wait_indirect_dma semaphore(%arg17 : memref<!tpu.dma_semaphore, #tpu.memory_space<semaphore_mem>>) src(%dma_wait3A_328 : memref<1000000x64xf32, #tpu.memory_space<hbm>>) dst(%arg9 : memref<128x64xf32, #tpu.memory_space<vmem>>)
    %add3A_329 = arith.constant 24960 : i32
    %add3A_330 = arith.addi %mul3A_4, %add3A_329 : i32
    %dma_start3A_331 = arith.constant 0 : i32
    %dma_start3A_332 = tpu.memref_slice %arg4[%add3A_330, %dma_start3A_331] : memref<819200x128xf32, #tpu.memory_space<hbm>> -> memref<128x64xf32, #tpu.memory_space<hbm>>
    %dma_start3A_333 = arith.constant 0 : i32
    %dma_start3A_334 = tpu.memref_slice %arg4[%add3A_330, %dma_start3A_333] : memref<819200x128xf32, #tpu.memory_space<hbm>> -> memref<128x64xf32, #tpu.memory_space<hbm>>
    tpu.enqueue_dma source(%arg9 : memref<128x64xf32, #tpu.memory_space<vmem>>) target(%dma_start3A_334 : memref<128x64xf32, #tpu.memory_space<hbm>>) target_semaphore(%arg25 : memref<!tpu.dma_semaphore, #tpu.memory_space<semaphore_mem>>)
    %add3A_335 = arith.constant 24832 : i32
    %add3A_336 = arith.addi %mul3A_4, %add3A_335 : i32
    %dma_wait3A_337 = arith.constant 0 : i32
    %dma_wait3A_338 = tpu.memref_slice %arg4[%add3A_336, %dma_wait3A_337] : memref<819200x128xf32, #tpu.memory_space<hbm>> -> memref<128x64xf32, #tpu.memory_space<hbm>>
    %dma_wait3A_339 = arith.constant 0 : i32
    %dma_wait3A_340 = tpu.memref_slice %arg4[%add3A_336, %dma_wait3A_339] : memref<819200x128xf32, #tpu.memory_space<hbm>> -> memref<128x64xf32, #tpu.memory_space<hbm>>
    tpu.wait_dma2 semaphore(%arg24 : memref<!tpu.dma_semaphore, #tpu.memory_space<semaphore_mem>>) src(%arg8 : memref<128x64xf32, #tpu.memory_space<vmem>>) dst(%dma_wait3A_340 : memref<128x64xf32, #tpu.memory_space<hbm>>)
    %dma_wait3A_341 = arith.constant 196 : i32
    %dma_wait3A_342 = arith.constant 0 : i32
    %dma_wait3A_343 = tpu.memref_slice %arg5[%dma_wait3A_341, %dma_wait3A_342] : memref<200x128xi32, #tpu.memory_space<vmem>> -> memref<1x128xi32, #tpu.memory_space<vmem>>
    %dma_wait3A_344 = tpu.memref_squeeze %dma_wait3A_343 : memref<1x128xi32, #tpu.memory_space<vmem>> -> memref<128xi32, #tpu.memory_space<vmem>>
    %dma_wait3A_345 = arith.constant 0 : i32
    %dma_wait3A_346 = arith.constant 0 : i32
    %dma_wait3A_347 = tpu.memref_slice %arg3[%dma_wait3A_345, %dma_wait3A_346] : memref<1000000x64xf32, #tpu.memory_space<hbm>> -> memref<1000000x64xf32, #tpu.memory_space<hbm>>
    tpu.wait_indirect_dma semaphore(%arg18 : memref<!tpu.dma_semaphore, #tpu.memory_space<semaphore_mem>>) src(%dma_wait3A_347 : memref<1000000x64xf32, #tpu.memory_space<hbm>>) dst(%arg10 : memref<128x64xf32, #tpu.memory_space<vmem>>)
    %add3A_348 = arith.constant 25088 : i32
    %add3A_349 = arith.addi %mul3A_4, %add3A_348 : i32
    %dma_start3A_350 = arith.constant 0 : i32
    %dma_start3A_351 = tpu.memref_slice %arg4[%add3A_349, %dma_start3A_350] : memref<819200x128xf32, #tpu.memory_space<hbm>> -> memref<128x64xf32, #tpu.memory_space<hbm>>
    %dma_start3A_352 = arith.constant 0 : i32
    %dma_start3A_353 = tpu.memref_slice %arg4[%add3A_349, %dma_start3A_352] : memref<819200x128xf32, #tpu.memory_space<hbm>> -> memref<128x64xf32, #tpu.memory_space<hbm>>
    tpu.enqueue_dma source(%arg10 : memref<128x64xf32, #tpu.memory_space<vmem>>) target(%dma_start3A_353 : memref<128x64xf32, #tpu.memory_space<hbm>>) target_semaphore(%arg26 : memref<!tpu.dma_semaphore, #tpu.memory_space<semaphore_mem>>)
    %add3A_354 = arith.constant 24960 : i32
    %add3A_355 = arith.addi %mul3A_4, %add3A_354 : i32
    %dma_wait3A_356 = arith.constant 0 : i32
    %dma_wait3A_357 = tpu.memref_slice %arg4[%add3A_355, %dma_wait3A_356] : memref<819200x128xf32, #tpu.memory_space<hbm>> -> memref<128x64xf32, #tpu.memory_space<hbm>>
    %dma_wait3A_358 = arith.constant 0 : i32
    %dma_wait3A_359 = tpu.memref_slice %arg4[%add3A_355, %dma_wait3A_358] : memref<819200x128xf32, #tpu.memory_space<hbm>> -> memref<128x64xf32, #tpu.memory_space<hbm>>
    tpu.wait_dma2 semaphore(%arg25 : memref<!tpu.dma_semaphore, #tpu.memory_space<semaphore_mem>>) src(%arg9 : memref<128x64xf32, #tpu.memory_space<vmem>>) dst(%dma_wait3A_359 : memref<128x64xf32, #tpu.memory_space<hbm>>)
    %dma_wait3A_360 = arith.constant 197 : i32
    %dma_wait3A_361 = arith.constant 0 : i32
    %dma_wait3A_362 = tpu.memref_slice %arg5[%dma_wait3A_360, %dma_wait3A_361] : memref<200x128xi32, #tpu.memory_space<vmem>> -> memref<1x128xi32, #tpu.memory_space<vmem>>
    %dma_wait3A_363 = tpu.memref_squeeze %dma_wait3A_362 : memref<1x128xi32, #tpu.memory_space<vmem>> -> memref<128xi32, #tpu.memory_space<vmem>>
    %dma_wait3A_364 = arith.constant 0 : i32
    %dma_wait3A_365 = arith.constant 0 : i32
    %dma_wait3A_366 = tpu.memref_slice %arg3[%dma_wait3A_364, %dma_wait3A_365] : memref<1000000x64xf32, #tpu.memory_space<hbm>> -> memref<1000000x64xf32, #tpu.memory_space<hbm>>
    tpu.wait_indirect_dma semaphore(%arg19 : memref<!tpu.dma_semaphore, #tpu.memory_space<semaphore_mem>>) src(%dma_wait3A_366 : memref<1000000x64xf32, #tpu.memory_space<hbm>>) dst(%arg11 : memref<128x64xf32, #tpu.memory_space<vmem>>)
    %add3A_367 = arith.constant 25216 : i32
    %add3A_368 = arith.addi %mul3A_4, %add3A_367 : i32
    %dma_start3A_369 = arith.constant 0 : i32
    %dma_start3A_370 = tpu.memref_slice %arg4[%add3A_368, %dma_start3A_369] : memref<819200x128xf32, #tpu.memory_space<hbm>> -> memref<128x64xf32, #tpu.memory_space<hbm>>
    %dma_start3A_371 = arith.constant 0 : i32
    %dma_start3A_372 = tpu.memref_slice %arg4[%add3A_368, %dma_start3A_371] : memref<819200x128xf32, #tpu.memory_space<hbm>> -> memref<128x64xf32, #tpu.memory_space<hbm>>
    tpu.enqueue_dma source(%arg11 : memref<128x64xf32, #tpu.memory_space<vmem>>) target(%dma_start3A_372 : memref<128x64xf32, #tpu.memory_space<hbm>>) target_semaphore(%arg27 : memref<!tpu.dma_semaphore, #tpu.memory_space<semaphore_mem>>)
    %add3A_373 = arith.constant 25088 : i32
    %add3A_374 = arith.addi %mul3A_4, %add3A_373 : i32
    %dma_wait3A_375 = arith.constant 0 : i32
    %dma_wait3A_376 = tpu.memref_slice %arg4[%add3A_374, %dma_wait3A_375] : memref<819200x128xf32, #tpu.memory_space<hbm>> -> memref<128x64xf32, #tpu.memory_space<hbm>>
    %dma_wait3A_377 = arith.constant 0 : i32
    %dma_wait3A_378 = tpu.memref_slice %arg4[%add3A_374, %dma_wait3A_377] : memref<819200x128xf32, #tpu.memory_space<hbm>> -> memref<128x64xf32, #tpu.memory_space<hbm>>
    tpu.wait_dma2 semaphore(%arg26 : memref<!tpu.dma_semaphore, #tpu.memory_space<semaphore_mem>>) src(%arg10 : memref<128x64xf32, #tpu.memory_space<vmem>>) dst(%dma_wait3A_378 : memref<128x64xf32, #tpu.memory_space<hbm>>)
    %dma_wait3A_379 = arith.constant 198 : i32
    %dma_wait3A_380 = arith.constant 0 : i32
    %dma_wait3A_381 = tpu.memref_slice %arg5[%dma_wait3A_379, %dma_wait3A_380] : memref<200x128xi32, #tpu.memory_space<vmem>> -> memref<1x128xi32, #tpu.memory_space<vmem>>
    %dma_wait3A_382 = tpu.memref_squeeze %dma_wait3A_381 : memref<1x128xi32, #tpu.memory_space<vmem>> -> memref<128xi32, #tpu.memory_space<vmem>>
    %dma_wait3A_383 = arith.constant 0 : i32
    %dma_wait3A_384 = arith.constant 0 : i32
    %dma_wait3A_385 = tpu.memref_slice %arg3[%dma_wait3A_383, %dma_wait3A_384] : memref<1000000x64xf32, #tpu.memory_space<hbm>> -> memref<1000000x64xf32, #tpu.memory_space<hbm>>
    tpu.wait_indirect_dma semaphore(%arg20 : memref<!tpu.dma_semaphore, #tpu.memory_space<semaphore_mem>>) src(%dma_wait3A_385 : memref<1000000x64xf32, #tpu.memory_space<hbm>>) dst(%arg12 : memref<128x64xf32, #tpu.memory_space<vmem>>)
    %add3A_386 = arith.constant 25344 : i32
    %add3A_387 = arith.addi %mul3A_4, %add3A_386 : i32
    %dma_start3A_388 = arith.constant 0 : i32
    %dma_start3A_389 = tpu.memref_slice %arg4[%add3A_387, %dma_start3A_388] : memref<819200x128xf32, #tpu.memory_space<hbm>> -> memref<128x64xf32, #tpu.memory_space<hbm>>
    %dma_start3A_390 = arith.constant 0 : i32
    %dma_start3A_391 = tpu.memref_slice %arg4[%add3A_387, %dma_start3A_390] : memref<819200x128xf32, #tpu.memory_space<hbm>> -> memref<128x64xf32, #tpu.memory_space<hbm>>
    tpu.enqueue_dma source(%arg12 : memref<128x64xf32, #tpu.memory_space<vmem>>) target(%dma_start3A_391 : memref<128x64xf32, #tpu.memory_space<hbm>>) target_semaphore(%arg28 : memref<!tpu.dma_semaphore, #tpu.memory_space<semaphore_mem>>)
    %add3A_392 = arith.constant 25216 : i32
    %add3A_393 = arith.addi %mul3A_4, %add3A_392 : i32
    %dma_wait3A_394 = arith.constant 0 : i32
    %dma_wait3A_395 = tpu.memref_slice %arg4[%add3A_393, %dma_wait3A_394] : memref<819200x128xf32, #tpu.memory_space<hbm>> -> memref<128x64xf32, #tpu.memory_space<hbm>>
    %dma_wait3A_396 = arith.constant 0 : i32
    %dma_wait3A_397 = tpu.memref_slice %arg4[%add3A_393, %dma_wait3A_396] : memref<819200x128xf32, #tpu.memory_space<hbm>> -> memref<128x64xf32, #tpu.memory_space<hbm>>
    tpu.wait_dma2 semaphore(%arg27 : memref<!tpu.dma_semaphore, #tpu.memory_space<semaphore_mem>>) src(%arg11 : memref<128x64xf32, #tpu.memory_space<vmem>>) dst(%dma_wait3A_397 : memref<128x64xf32, #tpu.memory_space<hbm>>)
    %dma_wait3A_398 = arith.constant 199 : i32
    %dma_wait3A_399 = arith.constant 0 : i32
    %dma_wait3A_400 = tpu.memref_slice %arg5[%dma_wait3A_398, %dma_wait3A_399] : memref<200x128xi32, #tpu.memory_space<vmem>> -> memref<1x128xi32, #tpu.memory_space<vmem>>
    %dma_wait3A_401 = tpu.memref_squeeze %dma_wait3A_400 : memref<1x128xi32, #tpu.memory_space<vmem>> -> memref<128xi32, #tpu.memory_space<vmem>>
    %dma_wait3A_402 = arith.constant 0 : i32
    %dma_wait3A_403 = arith.constant 0 : i32
    %dma_wait3A_404 = tpu.memref_slice %arg3[%dma_wait3A_402, %dma_wait3A_403] : memref<1000000x64xf32, #tpu.memory_space<hbm>> -> memref<1000000x64xf32, #tpu.memory_space<hbm>>
    tpu.wait_indirect_dma semaphore(%arg21 : memref<!tpu.dma_semaphore, #tpu.memory_space<semaphore_mem>>) src(%dma_wait3A_404 : memref<1000000x64xf32, #tpu.memory_space<hbm>>) dst(%arg13 : memref<128x64xf32, #tpu.memory_space<vmem>>)
    %add3A_405 = arith.constant 25472 : i32
    %add3A_406 = arith.addi %mul3A_4, %add3A_405 : i32
    %dma_start3A_407 = arith.constant 0 : i32
    %dma_start3A_408 = tpu.memref_slice %arg4[%add3A_406, %dma_start3A_407] : memref<819200x128xf32, #tpu.memory_space<hbm>> -> memref<128x64xf32, #tpu.memory_space<hbm>>
    %dma_start3A_409 = arith.constant 0 : i32
    %dma_start3A_410 = tpu.memref_slice %arg4[%add3A_406, %dma_start3A_409] : memref<819200x128xf32, #tpu.memory_space<hbm>> -> memref<128x64xf32, #tpu.memory_space<hbm>>
    tpu.enqueue_dma source(%arg13 : memref<128x64xf32, #tpu.memory_space<vmem>>) target(%dma_start3A_410 : memref<128x64xf32, #tpu.memory_space<hbm>>) target_semaphore(%arg29 : memref<!tpu.dma_semaphore, #tpu.memory_space<semaphore_mem>>)
    %add3A_411 = arith.constant 25344 : i32
    %add3A_412 = arith.addi %mul3A_4, %add3A_411 : i32
    %dma_wait3A_413 = arith.constant 0 : i32
    %dma_wait3A_414 = tpu.memref_slice %arg4[%add3A_412, %dma_wait3A_413] : memref<819200x128xf32, #tpu.memory_space<hbm>> -> memref<128x64xf32, #tpu.memory_space<hbm>>
    %dma_wait3A_415 = arith.constant 0 : i32
    %dma_wait3A_416 = tpu.memref_slice %arg4[%add3A_412, %dma_wait3A_415] : memref<819200x128xf32, #tpu.memory_space<hbm>> -> memref<128x64xf32, #tpu.memory_space<hbm>>
    tpu.wait_dma2 semaphore(%arg28 : memref<!tpu.dma_semaphore, #tpu.memory_space<semaphore_mem>>) src(%arg12 : memref<128x64xf32, #tpu.memory_space<vmem>>) dst(%dma_wait3A_416 : memref<128x64xf32, #tpu.memory_space<hbm>>)
    %add3A_417 = arith.constant 25472 : i32
    %add3A_418 = arith.addi %mul3A_4, %add3A_417 : i32
    %dma_wait3A_419 = arith.constant 0 : i32
    %dma_wait3A_420 = tpu.memref_slice %arg4[%add3A_418, %dma_wait3A_419] : memref<819200x128xf32, #tpu.memory_space<hbm>> -> memref<128x64xf32, #tpu.memory_space<hbm>>
    %dma_wait3A_421 = arith.constant 0 : i32
    %dma_wait3A_422 = tpu.memref_slice %arg4[%add3A_418, %dma_wait3A_421] : memref<819200x128xf32, #tpu.memory_space<hbm>> -> memref<128x64xf32, #tpu.memory_space<hbm>>
    tpu.wait_dma2 semaphore(%arg29 : memref<!tpu.dma_semaphore, #tpu.memory_space<semaphore_mem>>) src(%arg13 : memref<128x64xf32, #tpu.memory_space<vmem>>) dst(%dma_wait3A_422 : memref<128x64xf32, #tpu.memory_space<hbm>>)
    return
  }
}

</mosaic_0001>

<sc_bundles>
// kernel: kernel.3.cloned.1.call-start
scs
__scs_entry_jumppad:
0x0: {  	(pc) =	sbr.rel $0x88, $3  }
0x1: {  	(tag) =	ssettag $0x0;
	lr =	simm.s32 $0x1  }
0x2: {  	[smem:$0x3F9F] =	sst lr;
	_ =	strace $0xD0000000  }
0x3: {  	_ = 	snop  }
0x4: {  	_ = 	snop  }
0x5: {  	_ = 	snop  }
0x6: {  	_ = 	snop  }
0x7: {  	_ = 	snop  }
__scs_overlays_trampoline_lowered:
0x8: {  	[smem:$0x3FAE] =	sst s0  }
0x9: {  	[smem:$0x3FAF] =	sst s1  }
0xa: {  	[smem:$0x3FB0] =	sst s2  }
0xb: {  	[smem:$0x3FB1] =	sst s3  }
0xc: {  	[smem:$0x3FB2] =	sst s4  }
0xd: {  	[smem:$0x3FB3] =	sst s5  }
0xe: {  	[smem:$0x3FB4] =	sst s6  }
0xf: {  	[smem:$0x3FB5] =	sst s7  }
0x10: {  	[smem:$0x3FB6] =	sst s8  }
0x11: {  	[smem:$0x3FB7] =	sst s9;
	s0 =	simm.s32 @!p0 $0x0  }
0x12: {  	s1 =	sld [smem:$0x3F9D];
	s0 =	simm.s32 @p0 $0x1  }
0x13: {  	[smem:$0x3FB8] =	sst s0;
	s0 =	simm.s32 @!p1 $0x0  }
0x14: {  	s2 =	sld [smem:$0x3F9C];
	s0 =	simm.s32 @p1 $0x1  }
0x15: {  	[smem:$0x3FB9] =	sst s0;
	s0 =	simm.s32 @!p2 $0x0  }
0x16: {  	s3 =	sld [smem:$0x3FDB];
	s0 =	simm.s32 @p2 $0x1  }
0x17: {  	s4 =	simm.s32 $0x1BF5;
	[smem:$0x3FBB] =	sst s0  }
0x18: {  	s0 =	sld [smem:$0x3F9E];
	_ =	swait.ge [sflag:s4], $0x0  }
0x19: {  	s7 =	sld [smem:$0x3F9F]  }
0x1a: {  	s8 =	sadd.s32 $0xFFFFE003, lr  }
0x1b: {  	s9 =	sadd.s32 $0xFFFFFEF7, lr;
	s5 =	simm.s32 $0xFFFFFFFF;
	p2 =	slt.u32 s8, $0xFFFFF086  }
0x1c: {  	p1 =	slt.u32 s9, $0xF7A;
	s5 =	simm.s32 @!p2 $0x0  }
0x1d: {  	s5 =	simm.s32 @p1 $0x1;
	p0 =	seq.s32 s7, s2  }
0x1e: {  	s7 =	smul.u32 @!p0 $0xF7A, s2;
	p2 =	seq.s32 @!p0 s5, $0x0  }
0x1f: {  	s9 =	smul.u32 $0xF7A, s1;
	s8 =	simm.s32 @!p0 $0x1BF5;
	p2 =	por !p2, p0  }
0x20: {  	[sflag:s8] =	ssyncset.s32 @!p0 $0xFFFFF086;
	s6 =	sadd.s32 @!p0 s3, s7;
	s7 =	simm.s32 @!p0 $0x108  }
0x21: {  	s3 =	sadd.s32 s3, s9;
	s6 =	sadd.s32 @!p0 $0x88, s6;
	s7 =	simm.s32 @p2 $0x1082  }
0x22: {  	[simem:s7], [sflag:s8] =	dma.local @!p0 [hbm:s6], $0xF7A  }
0x23: {  	s9 =	sor.u32 $0xD0000000, s2;
	s6 =	simm.s32 $0x108;
	_ =	swait.ge @!p0 [sflag:s8], $0x0  }
0x24: {  	s3 =	sadd.s32 $0x88, s3;
	s6 =	simm.s32 @!p1 $0x1082;
	[sflag:s4] =	ssyncset.s32 $0xFFFFF086  }
0x25: {  	[simem:s6], [sflag:s4] =	dma.local [hbm:s3], $0xF7A  }
0x26: {  	[smem:$0x3F9F] =	sst s1;
	(tag) =	ssettag s2;
	_ =	strace s9  }
0x27: {  	s1 =	sld [smem:$0x3FAF]  }
0x28: {  	s2 =	sld [smem:$0x3FB0]  }
0x29: {  	s4 =	sld [smem:$0x3FB2]  }
0x2a: {  	p0 =	seq.s32 s5, $0x0;
	s5 =	sld [smem:$0x3FB3]  }
0x2b: {  	s6 =	sld [smem:$0x3FB4]  }
0x2c: {  	s7 =	sld [smem:$0x3FB5]  }
0x2d: {  	s3 =	simm.s32 $0x108;
	s8 =	sld [smem:$0x3FB6]  }
0x2e: {  	s3 =	simm.s32 @!p0 $0x1082;
	s9 =	sld [smem:$0x3FB7]  }
0x2f: {  	lr =	sadd.s32 s0, s3;
	s0 =	sld [smem:$0x3FAE]  }
0x30: {  	s3 =	sld [smem:$0x3FB1]  }
0x31: {  	[smem:$0x3FBA] =	sst s10  }
0x32: {  	s10 =	sld [smem:$0x3FB8];
	_ =	sdelay $0x3  }
0x33: {  	p0 =	seq.s32 s10, $0x1;
	s10 =	sld [smem:$0x3FBA];
	_ =	sdelay $0x3  }
0x34: {  	[smem:$0x3FBA] =	sst s10  }
0x35: {  	s10 =	sld [smem:$0x3FB9];
	_ =	sdelay $0x3  }
0x36: {  	p1 =	seq.s32 s10, $0x1;
	s10 =	sld [smem:$0x3FBA];
	_ =	sdelay $0x3  }
0x37: {  	[smem:$0x3FBA] =	sst s10  }
0x38: {  	s10 =	sld [smem:$0x3FBB]  }
0x39: {  	_ = 	snop;
	(pc) =	sbr.ind lr, $3  }
0x3a: {  	_ = 	snop  }
0x3b: {  	_ = 	snop  }
0x3c: {  	p2 =	seq.s32 s10, $0x1;
	s10 =	sld [smem:$0x3FBA]  }
0x3d: {  	_ =	shalt  }
0x3e: {  	_ =	shalt  }
0x3f: {  	_ =	shalt  }
0x40: {  	_ =	shalt  }
0x41: {  	_ =	shalt  }
0x42: {  	_ =	shalt  }
0x43: {  	_ =	shalt  }
0x44: {  	_ =	shalt  }
0x45: {  	_ =	shalt  }
0x46: {  	_ =	shalt  }
0x47: {  	_ =	shalt  }
0x48: {  	_ =	shalt  }
0x49: {  	_ =	shalt  }
0x4a: {  	_ =	shalt  }
0x4b: {  	_ =	shalt  }
0x4c: {  	_ =	shalt  }
0x4d: {  	_ =	shalt  }
0x4e: {  	_ =	shalt  }
0x4f: {  	_ =	shalt  }
0x50: {  	_ =	shalt  }
0x51: {  	_ =	shalt  }
0x52: {  	_ =	shalt  }
0x53: {  	_ =	shalt  }
0x54: {  	_ =	shalt  }
0x55: {  	_ =	shalt  }
0x56: {  	_ =	shalt  }
0x57: {  	_ =	shalt  }
0x58: {  	_ =	shalt  }
0x59: {  	_ =	shalt  }
0x5a: {  	_ =	shalt  }
0x5b: {  	_ =	shalt  }
0x5c: {  	_ =	shalt  }
0x5d: {  	_ =	shalt  }
0x5e: {  	_ =	shalt  }
0x5f: {  	_ =	shalt  }
0x60: {  	_ =	shalt  }
0x61: {  	_ =	shalt  }
0x62: {  	_ =	shalt  }
0x63: {  	_ =	shalt  }
0x64: {  	_ =	shalt  }
0x65: {  	_ =	shalt  }
0x66: {  	_ =	shalt  }
0x67: {  	_ =	shalt  }
0x68: {  	_ =	shalt  }
0x69: {  	_ =	shalt  }
0x6a: {  	_ =	shalt  }
0x6b: {  	_ =	shalt  }
0x6c: {  	_ =	shalt  }
0x6d: {  	_ =	shalt  }
0x6e: {  	_ =	shalt  }
0x6f: {  	_ =	shalt  }
0x70: {  	_ =	shalt  }
0x71: {  	_ =	shalt  }
0x72: {  	_ =	shalt  }
0x73: {  	_ =	shalt  }
0x74: {  	_ =	shalt  }
0x75: {  	_ =	shalt  }
0x76: {  	_ =	shalt  }
0x77: {  	_ =	shalt  }
0x78: {  	_ =	shalt  }
0x79: {  	_ =	shalt  }
0x7a: {  	_ =	shalt  }
0x7b: {  	_ =	shalt  }
0x7c: {  	_ =	shalt  }
0x7d: {  	_ =	shalt  }
0x7e: {  	_ =	shalt  }
0x7f: {  	_ =	shalt  }
0x80: {  	_ =	shalt  }
0x81: {  	_ =	shalt  }
0x82: {  	_ =	shalt  }
0x83: {  	_ =	shalt  }
0x84: {  	_ =	shalt  }
0x85: {  	_ =	shalt  }
0x86: {  	_ =	shalt  }
0x87: {  	_ =	shalt  }
.Lfunc_end0:
.L_simem_size_0:
called_computation.1_lowered:
.L_overlay_start_0:
0x88: {  	s2 =	sld [smem:$0x3FD9]  }
0x89: {  	s3 =	sld [smem:$0x3FFE];
	_ =	sdelay $0x1  }
0x8a: {  	s1 =	srdreg.scid  }
0x8b: {  	s0 =	sand.u32 $0x1, s1  }
0x8c: {  	s17 =	sshll.u32 s0, $0xA;
	s2 =	sadd.s32 s3, s2  }
0x8d: {  	s2 =	sadd.s32 s2, s17  }
0x8e: {  	[smem:$0x3FC6] =	sst s2  }
0x8f: {  	_ = 	snop  }
0x90: {  	s2 =	sld [smem:$0x3FD0];
	(tm) =	ssettm $0x1  }
0x91: {  	s18 =	sld [smem:$0x3FFB];
	_ =	sdelay $0x3  }
0x92: {  	_ =	strace s18  }
0x93: {  	s3 =	sld [smem:$0x3FFC];
	_ =	sdelay $0x3  }
0x94: {  	_ =	strace s3  }
0x95: {  	s3 =	sld [smem:$0x3FFD];
	_ =	sdelay $0x3  }
0x96: {  	_ =	strace s3  }
0x97: {  	_ =	strace $0x8FFFFFFF  }
0x98: {  	s19 =	sld [smem:$0x3FDB];
	_ =	sdelay $0x1  }
0x99: {  	s4 =	simm.s32 $_scs_section_size  }
0x9a: {  	s5 =	simm.s32 $_size__tile_overlayer_lowered;
	s6 =	simm.s32 $_tile_overlayer_lowered  }
0x9b: {  	s22 =	simm.s32 $0x1BFF;
	s21 =	sshll.u32 s6, $0x1;
	s3 =	sadd.s32 s4, s19  }
0x9c: {  	s7 =	simm.s32 $0x0;
	s20 =	sshll.u32 s5, $0x1;
	s5 =	sadd.s32 s21, s3  }
0x9d: {  	[timem:s7], [sflag:s22] =	dma.local [hbm:s5], s20  }
0x9e: {  	_ =	swait.ge [sflag:s22], s20  }
0x9f: {  	s4 =	ssub.s32 $0x0, s20;
	[sflag:s22] =	ssyncset.done $0x0  }
0xa0: {  	[sflag:s22] =	ssyncadd.s32 s4;
	_ =	sdelay $0x1  }
0xa1: {  	s23 =	simm.s32 $0x1B8B  }
0xa2: {  	_ =	swait.ge [sflag:s23], $0x1  }
0xa3: {  	[sflag:s23] =	ssyncset.done $0x0  }
0xa4: {  	s25 =	simm.s32 $0x1B8E;
	s24 =	sld [smem:$0x3FFE];
	[sflag:s23] =	ssyncadd.s32 $0xFFFFFFFF  }
0xa5: {  	s26 =	simm.s32 $execute0_lowered;
	[smem:$0x3FD2] =	sst s25  }
0xa6: {  	s5 =	sshll.u32 s26, $0x1;
	_ =	strace $0x80000046;
	[dreg:$0x1] =	wrdreg $0xFFFFFFFF  }
0xa7: {  	s28 =	simm.s32 $_size_execute0_lowered;
	s3 =	sadd.s32 s3, s5;
	[dreg:$0x0] =	wrdreg $0x0  }
0xa8: {  	s5 =	sshll.u32 s28, $0x1;
	[dreg:$0x2] =	wrdreg s3  }
0xa9: {  	[dreg:$0x3] =	wrdreg s5  }
0xaa: {  	[dreg:$0x4] =	wrdreg $0xC0  }
0xab: {  	_ =	task [dreg:s7], $0x5FFFF  }
0xac: {  	[dreg:$0x1] =	wrdreg $0xFFFFFFFF  }
0xad: {  	[dreg:$0x0] =	wrdreg $0x60  }
0xae: {  	[dreg:$0x2] =	wrdreg s2  }
0xaf: {  	[dreg:$0x3] =	wrdreg s24  }
0xb0: {  	[dreg:$0x4] =	wrdreg $0x9  }
0xb1: {  	_ =	task.clear_ibuf [dreg:s7], $0x5FFFF;
	_ =	strace $0x90000046  }
0xb2: {  	s29 =	simm.s32 $0x9;
	_ =	strace $0x80000048  }
0xb3: {  	_ =	swait.ge [sflag:s29], $0x1  }
0xb4: {  	[sflag:s29] =	ssyncadd.s32 $0xFFFFFFFF  }
0xb5: {  	_ =	strace $0x90000048  }
0xb6: {  	_ =	sfence  }
0xb7: {  	s30 =	sld [smem:$0x0];
	_ =	sdelay $0x2  }
0xb8: {  	s31 =	sshll.u32 s1, $0xD;
	s1 =	sshrl.u32 s1, $0x2  }
0xb9: {  	s3 =	sand.u32 $0x4000, s31;
	s1 =	sadd.s32 s1, s30  }
0xba: {  	s0 =	sor.u32 s3, s0;
	s1 =	sshll.u32 s1, $0x11  }
0xbb: {  	s0 =	sor.u32 s1, s0  }
0xbc: {  	s0 =	sadd.s32 $0x8F2B, s0  }
0xbd: {  	[sflag:s0] =	ssyncadd.remote.s32 $0x1  }
0xbe: {  	_ =	sfence.sel $0xFFFF  }
0xbf: {  	[dreg:$0x0] =	wrdreg $0xFFFFFFFF;
	(pc) =	sbr.abs _section_cstart, $3  }
0xc0: {  	[dreg:$0x1] =	wrdreg $0xFFFFFFFF  }
0xc1: {  	_ =	task.clear_ibuf [dreg:s7], $0x2FFFF;
	_ =	strace $0x9FFFFFFF  }
0xc2: {  	(tm) =	ssettm $0x7FFFFFFF  }
0xc3: {  	_ =	shalt  }
tec
execute0_lowered:
.L_overlay_start_1:
0x0: {  	(tag) =	ssettag $0x1  }
0x1: {  	s0 =	rddreg [dreg:$0x0]  }
0x2: {  	s1 =	rddreg [dreg:$0x1]  }
0x3: {  	s3 =	simm.s32 $0x0;
	s2 =	srdreg.scid;
	s4 =	stileid.u32  }
0x4: {  	s29 =	simm.s32 $0xA400;
	s2 =	sand.u32 $0x1, s2;
	s21 =	sshll.u32 s4, $0x1  }
0x5: {  	s31 =	simm.s32 $0xC400;
	[smem:$0x7FF] =	sst s3;
	s5 =	sor.u32 s2, s21  }
0x6: {  	s3 =	sadd.s32 $0xF42E00, s1;
	s9 =	sadd.s32 $0xA00, s1;
	s8 =	smul.u32 $0xC80, s5  }
0x7: {  	_ =	strace $0x80000047;
	s6 =	ssub.s32 $0x2, s2;
	s7 =	smul.u32 $0x64000, s5  }
0x8: {  	[dreg:$0xb] =	wrdreg s9;
	s22 =	sshrl.u32 s6, $0x1;
	s0 =	sadd.s32 s0, s8  }
0x9: {  	s1 =	ssub.s32 s6, s22;
	s7 =	sadd.s32 s9, s7;
	[dreg:$0xd] =	wrdreg s0  }
0xa: {  	s30 =	simm.s32 $0x10400;
	s1 =	smax.u32 s1, $0x1;
	[dreg:$0xc] =	wrdreg s7  }
0xb: {  	s28 =	simm.s32 $0x12400;
	s24 =	sadd.s32 $0x800, s7;
	[dreg:$0x1d] =	wrdreg s1  }
0xc: {  	s23 =	smul.u32 $0xC800, s4;
	s26 =	sadd.s32 $0x1000, s7;
	[dreg:$0xe] =	wrdreg s24  }
0xd: {  	s25 =	smul.u32 $0x6400, s2;
	s4 =	sadd.s32 $0x1800, s7;
	[dreg:$0xf] =	wrdreg s26  }
0xe: {  	s5 =	smul.u32 $0x320000, s5;
	s8 =	sadd.s32 $0x2000, s7;
	[dreg:$0x10] =	wrdreg s4  }
0xf: {  	s6 =	simm.s32 $0x40;
	s10 =	sadd.s32 $0x2800, s7;
	[dreg:$0x11] =	wrdreg s8  }
0x10: {  	s2 =	sshrl.u32 s5, $0x3;
	s11 =	sadd.s32 $0x3000, s7;
	[dreg:$0x12] =	wrdreg s10  }
0x11: {  	s12 =	sadd.s32 $0x3800, s7;
	s2 =	sadd.s32 s9, s2;
	[dreg:$0x13] =	wrdreg s11  }
0x12: {  	s5 =	simm.s32 $0x0;
	[dreg:$0x14] =	wrdreg s12;
	s14 =	sadd.s32 $0x60000, s2  }
0x13: {  	s0 =	sadd.s32 s25, s23;
	s16 =	sadd.s32 $0x60800, s2;
	[dreg:$0x15] =	wrdreg s14  }
0x14: {  	s1 =	simm.s32 $0xE400;
	s18 =	sadd.s32 $0x61000, s2;
	[dreg:$0x16] =	wrdreg s16  }
0x15: {  	s7 =	simm.s32 $0x2;
	s20 =	sadd.s32 $0x61800, s2;
	[dreg:$0x17] =	wrdreg s18  }
0x16: {  	s9 =	simm.s32 $0x3;
	s22 =	sadd.s32 $0x62000, s2;
	[dreg:$0x18] =	wrdreg s20  }
0x17: {  	s0 =	sshll.u32 s0, $0x4;
	s24 =	sadd.s32 $0x62800, s2;
	[dreg:$0x19] =	wrdreg s22  }
0x18: {  	s26 =	sadd.s32 $0x63000, s2;
	s2 =	sadd.s32 $0x63800, s2;
	[dreg:$0x1a] =	wrdreg s24  }
0x19: {  	s8 =	simm.s32 $0x9;
	s10 =	simm.s32 $0xA;
	[dreg:$0x1b] =	wrdreg s26  }
0x1a: {  	s11 =	simm.s32 $0x4;
	s13 =	sadd.s32 $0x7000, s0;
	[dreg:$0x1c] =	wrdreg s2  }
0x1b: {  	s12 =	simm.s32 $0xB;
	s15 =	sadd.s32 $0x6800, s0;
	[dreg:$0x3] =	wrdreg s13  }
0x1c: {  	s17 =	sadd.s32 $0x6000, s0;
	s19 =	sadd.s32 $0x5800, s0;
	[dreg:$0x4] =	wrdreg s15  }
0x1d: {  	s21 =	sadd.s32 $0x5000, s0;
	s23 =	sadd.s32 $0x4800, s0;
	[dreg:$0x5] =	wrdreg s17  }
0x1e: {  	s25 =	sadd.s32 $0x4000, s0;
	s0 =	sadd.s32 $0x7800, s0;
	[dreg:$0x6] =	wrdreg s19  }
0x1f: {  	s24 =	simm.s32 $0x80;
	s26 =	simm.s32 $0x8400;
	[dreg:$0x7] =	wrdreg s21  }
0x20: {  	s2 =	simm.s32 $0x1;
	s14 =	simm.s32 $0xC;
	[dreg:$0x8] =	wrdreg s23  }
0x21: {  	s16 =	simm.s32 $0xD;
	s18 =	simm.s32 $0xE;
	[dreg:$0x9] =	wrdreg s25  }
0x22: {  	s20 =	simm.s32 $0xF;
	[dreg:$0xa] =	wrdreg s0;
	s25 =	simm.s32 $0x6400  }
0x23: {  	s0 =	simm.s32 $0x14400;
	s13 =	simm.s32 $0x5;
	s15 =	simm.s32 $0x6  }
0x24: {  	s17 =	simm.s32 $0x7;
	s19 =	simm.s32 $0x8;
	s21 =	simm.s32 $0x10  }
.LBB2_1:
0x25: {  	[dreg:$0x1e] =	wrdreg s5  }
0x26: {  	s4 =	simm.s32 $0x0;
	s23 =	rddreg [dreg:$0xd];
	s22 =	simm.s32 $0x11  }
0x27: {  	[tilespmem:s4], [sflag:$0x11] =	stream.linear.gather [hbm4b:s23+s4], $0x6400, $0x38;
	[tilespmem:$0x16400] =	vst v63  }
0x28: {  	_ =	swait.ge [sflag:s22], $0x6400  }
0x29: {  	[sflag:s22] =	ssyncset.done $0x0  }
0x2a: {  	[sflag:s22] =	ssyncadd.s32 $0xFFFF9C00  }
0x2b: {  	[tilespmem:s25], [sflag:$0x1] =	stream.indirect.gather [hbm4b:s3+s24], $0x40, s4, s24, $0xb8;
	[tilespmem:$0x16400] =	vst v63  }
0x2c: {  	_ = 	snop  }
0x2d: {  	[tilespmem:s26], [sflag:$0x2] =	stream.indirect.gather [hbm4b:s3+s24], $0x40, s24, s24, $0xb8;
	[tilespmem:$0x16400] =	vst v63  }
0x2e: {  	s23 =	simm.s32 $0x100  }
0x2f: {  	[tilespmem:s29], [sflag:$0x3] =	stream.indirect.gather [hbm4b:s3+s24], $0x40, s23, s24, $0xb8;
	[tilespmem:$0x16400] =	vst v63  }
0x30: {  	s5 =	simm.s32 $0x180  }
0x31: {  	[tilespmem:s31], [sflag:$0x4] =	stream.indirect.gather [hbm4b:s3+s24], $0x40, s5, s24, $0xb8;
	[tilespmem:$0x16400] =	vst v63  }
0x32: {  	s22 =	simm.s32 $0x200  }
0x33: {  	[tilespmem:s1], [sflag:$0x5] =	stream.indirect.gather [hbm4b:s3+s24], $0x40, s22, s24, $0xb8;
	[tilespmem:$0x16400] =	vst v63  }
0x34: {  	s23 =	simm.s32 $0x280  }
0x35: {  	[tilespmem:s30], [sflag:$0x6] =	stream.indirect.gather [hbm4b:s3+s24], $0x40, s23, s24, $0xb8;
	[tilespmem:$0x16400] =	vst v63  }
0x36: {  	s5 =	simm.s32 $0x300  }
0x37: {  	[tilespmem:s28], [sflag:$0x7] =	stream.indirect.gather [hbm4b:s3+s24], $0x40, s5, s24, $0xb8;
	[tilespmem:$0x16400] =	vst v63  }
0x38: {  	s22 =	simm.s32 $0x380  }
0x39: {  	[tilespmem:s0], [sflag:$0x8] =	stream.indirect.gather [hbm4b:s3+s24], $0x40, s22, s24, $0xb8;
	[tilespmem:$0x16400] =	vst v63  }
0x3a: {  	_ =	swait.ge [sflag:s2], $0x2000  }
0x3b: {  	[sflag:s2] =	ssyncset.done $0x0  }
0x3c: {  	s23 =	rddreg [dreg:$0xc];
	[sflag:s2] =	ssyncadd.s32 $0xFFFFE000  }
0x3d: {  	[hbm4b:s23+s6] =	stream.strided.scatter [tilespmem:s25], [sflag:$0x9], $0x2000, s24, s6, $0x38;
	[tilespmem:$0x16400] =	vst v63  }
0x3e: {  	_ =	swait.ge [sflag:s7], $0x2000  }
0x3f: {  	[sflag:s7] =	ssyncset.done $0x0  }
0x40: {  	s5 =	rddreg [dreg:$0xe];
	[sflag:s7] =	ssyncadd.s32 $0xFFFFE000  }
0x41: {  	[hbm4b:s5+s6] =	stream.strided.scatter [tilespmem:s26], [sflag:$0xA], $0x2000, s24, s6, $0x38;
	[tilespmem:$0x16400] =	vst v63  }
0x42: {  	_ =	swait.ge [sflag:s8], $0x2000  }
0x43: {  	[sflag:s8] =	ssyncset.done $0x0  }
0x44: {  	s22 =	simm.s32 $0x400;
	[sflag:s8] =	ssyncadd.s32 $0xFFFFE000  }
0x45: {  	[tilespmem:s25], [sflag:$0x1] =	stream.indirect.gather [hbm4b:s3+s24], $0x40, s22, s24, $0xb8;
	[tilespmem:$0x16400] =	vst v63  }
0x46: {  	_ =	swait.ge [sflag:s9], $0x2000  }
0x47: {  	[sflag:s9] =	ssyncset.done $0x0  }
0x48: {  	s23 =	rddreg [dreg:$0xf];
	[sflag:s9] =	ssyncadd.s32 $0xFFFFE000  }
0x49: {  	[hbm4b:s23+s6] =	stream.strided.scatter [tilespmem:s29], [sflag:$0xB], $0x2000, s24, s6, $0x38;
	[tilespmem:$0x16400] =	vst v63  }
0x4a: {  	_ =	swait.ge [sflag:s10], $0x2000  }
0x4b: {  	[sflag:s10] =	ssyncset.done $0x0  }
0x4c: {  	s5 =	simm.s32 $0x480;
	[sflag:s10] =	ssyncadd.s32 $0xFFFFE000  }
0x4d: {  	[tilespmem:s26], [sflag:$0x2] =	stream.indirect.gather [hbm4b:s3+s24], $0x40, s5, s24, $0xb8;
	[tilespmem:$0x16400] =	vst v63  }
0x4e: {  	_ =	swait.ge [sflag:s11], $0x2000  }
0x4f: {  	[sflag:s11] =	ssyncset.done $0x0  }
0x50: {  	s22 =	rddreg [dreg:$0x10];
	[sflag:s11] =	ssyncadd.s32 $0xFFFFE000  }
0x51: {  	[hbm4b:s22+s6] =	stream.strided.scatter [tilespmem:s31], [sflag:$0xC], $0x2000, s24, s6, $0x38;
	[tilespmem:$0x16400] =	vst v63  }
0x52: {  	_ =	swait.ge [sflag:s12], $0x2000  }
0x53: {  	[sflag:s12] =	ssyncset.done $0x0  }
0x54: {  	s23 =	simm.s32 $0x500;
	[sflag:s12] =	ssyncadd.s32 $0xFFFFE000  }
0x55: {  	[tilespmem:s29], [sflag:$0x3] =	stream.indirect.gather [hbm4b:s3+s24], $0x40, s23, s24, $0xb8;
	[tilespmem:$0x16400] =	vst v63  }
0x56: {  	_ =	swait.ge [sflag:s13], $0x2000  }
0x57: {  	[sflag:s13] =	ssyncset.done $0x0  }
0x58: {  	s5 =	rddreg [dreg:$0x11];
	[sflag:s13] =	ssyncadd.s32 $0xFFFFE000  }
0x59: {  	[hbm4b:s5+s6] =	stream.strided.scatter [tilespmem:s1], [sflag:$0xD], $0x2000, s24, s6, $0x38;
	[tilespmem:$0x16400] =	vst v63  }
0x5a: {  	_ =	swait.ge [sflag:s14], $0x2000  }
0x5b: {  	[sflag:s14] =	ssyncset.done $0x0  }
0x5c: {  	s22 =	simm.s32 $0x580;
	[sflag:s14] =	ssyncadd.s32 $0xFFFFE000  }
0x5d: {  	[tilespmem:s31], [sflag:$0x4] =	stream.indirect.gather [hbm4b:s3+s24], $0x40, s22, s24, $0xb8;
	[tilespmem:$0x16400] =	vst v63  }
0x5e: {  	_ =	swait.ge [sflag:s15], $0x2000  }
0x5f: {  	[sflag:s15] =	ssyncset.done $0x0  }
0x60: {  	s23 =	rddreg [dreg:$0x12];
	[sflag:s15] =	ssyncadd.s32 $0xFFFFE000  }
0x61: {  	[hbm4b:s23+s6] =	stream.strided.scatter [tilespmem:s30], [sflag:$0xE], $0x2000, s24, s6, $0x38;
	[tilespmem:$0x16400] =	vst v63  }
0x62: {  	_ =	swait.ge [sflag:s16], $0x2000  }
0x63: {  	[sflag:s16] =	ssyncset.done $0x0  }
0x64: {  	s5 =	simm.s32 $0x600;
	[sflag:s16] =	ssyncadd.s32 $0xFFFFE000  }
0x65: {  	[tilespmem:s1], [sflag:$0x5] =	stream.indirect.gather [hbm4b:s3+s24], $0x40, s5, s24, $0xb8;
	[tilespmem:$0x16400] =	vst v63  }
0x66: {  	_ =	swait.ge [sflag:s17], $0x2000  }
0x67: {  	[sflag:s17] =	ssyncset.done $0x0  }
0x68: {  	s22 =	rddreg [dreg:$0x13];
	[sflag:s17] =	ssyncadd.s32 $0xFFFFE000  }
0x69: {  	[hbm4b:s22+s6] =	stream.strided.scatter [tilespmem:s28], [sflag:$0xF], $0x2000, s24, s6, $0x38;
	[tilespmem:$0x16400] =	vst v63  }
0x6a: {  	_ =	swait.ge [sflag:s18], $0x2000  }
0x6b: {  	[sflag:s18] =	ssyncset.done $0x0  }
0x6c: {  	s23 =	simm.s32 $0x680;
	[sflag:s18] =	ssyncadd.s32 $0xFFFFE000  }
0x6d: {  	[tilespmem:s30], [sflag:$0x6] =	stream.indirect.gather [hbm4b:s3+s24], $0x40, s23, s24, $0xb8;
	[tilespmem:$0x16400] =	vst v63  }
0x6e: {  	_ =	swait.ge [sflag:s19], $0x2000  }
0x6f: {  	[sflag:s19] =	ssyncset.done $0x0  }
0x70: {  	s5 =	rddreg [dreg:$0x14];
	[sflag:s19] =	ssyncadd.s32 $0xFFFFE000  }
0x71: {  	[hbm4b:s5+s6] =	stream.strided.scatter [tilespmem:s0], [sflag:$0x10], $0x2000, s24, s6, $0x38;
	[tilespmem:$0x16400] =	vst v63  }
0x72: {  	_ =	swait.ge [sflag:s20], $0x2000  }
0x73: {  	[sflag:s20] =	ssyncset.done $0x0  }
0x74: {  	s22 =	simm.s32 $0x700;
	[sflag:s20] =	ssyncadd.s32 $0xFFFFE000  }
0x75: {  	[tilespmem:s28], [sflag:$0x7] =	stream.indirect.gather [hbm4b:s3+s24], $0x40, s22, s24, $0xb8;
	[tilespmem:$0x16400] =	vst v63  }
0x76: {  	_ =	swait.ge [sflag:s2], $0x2000  }
0x77: {  	s23 =	rddreg [dreg:$0x9]  }
0x78: {  	[sflag:s2] =	ssyncset.done $0x0;
	s4 =	rddreg [dreg:$0xb]  }
0x79: {  	[sflag:s2] =	ssyncadd.s32 $0xFFFFE000;
	s5 =	sadd.s32 s4, s23  }
0x7a: {  	[hbm4b:s5+s6] =	stream.strided.scatter [tilespmem:s25], [sflag:$0x9], $0x2000, s24, s6, $0x38;
	[tilespmem:$0x16400] =	vst v63  }
0x7b: {  	_ =	swait.ge [sflag:s21], $0x2000  }
0x7c: {  	[sflag:s21] =	ssyncset.done $0x0  }
0x7d: {  	s22 =	simm.s32 $0x780;
	[sflag:s21] =	ssyncadd.s32 $0xFFFFE000  }
0x7e: {  	[tilespmem:s0], [sflag:$0x8] =	stream.indirect.gather [hbm4b:s3+s24], $0x40, s22, s24, $0xb8;
	[tilespmem:$0x16400] =	vst v63  }
0x7f: {  	_ =	swait.ge [sflag:s7], $0x2000  }
0x80: {  	s23 =	rddreg [dreg:$0x8];
	[sflag:s7] =	ssyncset.done $0x0  }
0x81: {  	[sflag:s7] =	ssyncadd.s32 $0xFFFFE000;
	s5 =	sadd.s32 s4, s23  }
0x82: {  	[hbm4b:s5+s6] =	stream.strided.scatter [tilespmem:s26], [sflag:$0xA], $0x2000, s24, s6, $0x38;
	[tilespmem:$0x16400] =	vst v63  }
0x83: {  	_ =	swait.ge [sflag:s8], $0x2000  }
0x84: {  	[sflag:s8] =	ssyncset.done $0x0  }
0x85: {  	s22 =	simm.s32 $0x800;
	[sflag:s8] =	ssyncadd.s32 $0xFFFFE000  }
0x86: {  	[tilespmem:s25], [sflag:$0x1] =	stream.indirect.gather [hbm4b:s3+s24], $0x40, s22, s24, $0xb8;
	[tilespmem:$0x16400] =	vst v63  }
0x87: {  	_ =	swait.ge [sflag:s9], $0x2000  }
0x88: {  	s23 =	rddreg [dreg:$0x7];
	[sflag:s9] =	ssyncset.done $0x0  }
0x89: {  	[sflag:s9] =	ssyncadd.s32 $0xFFFFE000;
	s5 =	sadd.s32 s4, s23  }
0x8a: {  	[hbm4b:s5+s6] =	stream.strided.scatter [tilespmem:s29], [sflag:$0xB], $0x2000, s24, s6, $0x38;
	[tilespmem:$0x16400] =	vst v63  }
0x8b: {  	_ =	swait.ge [sflag:s10], $0x2000  }
0x8c: {  	[sflag:s10] =	ssyncset.done $0x0  }
0x8d: {  	s22 =	simm.s32 $0x880;
	[sflag:s10] =	ssyncadd.s32 $0xFFFFE000  }
0x8e: {  	[tilespmem:s26], [sflag:$0x2] =	stream.indirect.gather [hbm4b:s3+s24], $0x40, s22, s24, $0xb8;
	[tilespmem:$0x16400] =	vst v63  }
0x8f: {  	_ =	swait.ge [sflag:s11], $0x2000  }
0x90: {  	s23 =	rddreg [dreg:$0x6];
	[sflag:s11] =	ssyncset.done $0x0  }
0x91: {  	[sflag:s11] =	ssyncadd.s32 $0xFFFFE000;
	s5 =	sadd.s32 s4, s23  }
0x92: {  	[hbm4b:s5+s6] =	stream.strided.scatter [tilespmem:s31], [sflag:$0xC], $0x2000, s24, s6, $0x38;
	[tilespmem:$0x16400] =	vst v63  }
0x93: {  	_ =	swait.ge [sflag:s12], $0x2000  }
0x94: {  	[sflag:s12] =	ssyncset.done $0x0  }
0x95: {  	s22 =	simm.s32 $0x900;
	[sflag:s12] =	ssyncadd.s32 $0xFFFFE000  }
0x96: {  	[tilespmem:s29], [sflag:$0x3] =	stream.indirect.gather [hbm4b:s3+s24], $0x40, s22, s24, $0xb8;
	[tilespmem:$0x16400] =	vst v63  }
0x97: {  	_ =	swait.ge [sflag:s13], $0x2000  }
0x98: {  	s23 =	rddreg [dreg:$0x5];
	[sflag:s13] =	ssyncset.done $0x0  }
0x99: {  	[sflag:s13] =	ssyncadd.s32 $0xFFFFE000;
	s5 =	sadd.s32 s4, s23  }
0x9a: {  	[hbm4b:s5+s6] =	stream.strided.scatter [tilespmem:s1], [sflag:$0xD], $0x2000, s24, s6, $0x38;
	[tilespmem:$0x16400] =	vst v63  }
0x9b: {  	_ =	swait.ge [sflag:s14], $0x2000  }
0x9c: {  	[sflag:s14] =	ssyncset.done $0x0  }
0x9d: {  	s22 =	simm.s32 $0x980;
	[sflag:s14] =	ssyncadd.s32 $0xFFFFE000  }
0x9e: {  	[tilespmem:s31], [sflag:$0x4] =	stream.indirect.gather [hbm4b:s3+s24], $0x40, s22, s24, $0xb8;
	[tilespmem:$0x16400] =	vst v63  }
0x9f: {  	_ =	swait.ge [sflag:s15], $0x2000  }
0xa0: {  	s23 =	rddreg [dreg:$0x4];
	[sflag:s15] =	ssyncset.done $0x0  }
0xa1: {  	[sflag:s15] =	ssyncadd.s32 $0xFFFFE000;
	s5 =	sadd.s32 s4, s23  }
0xa2: {  	[hbm4b:s5+s6] =	stream.strided.scatter [tilespmem:s30], [sflag:$0xE], $0x2000, s24, s6, $0x38;
	[tilespmem:$0x16400] =	vst v63  }
0xa3: {  	_ =	swait.ge [sflag:s16], $0x2000  }
0xa4: {  	[sflag:s16] =	ssyncset.done $0x0  }
0xa5: {  	s22 =	simm.s32 $0xA00;
	[sflag:s16] =	ssyncadd.s32 $0xFFFFE000  }
0xa6: {  	[tilespmem:s1], [sflag:$0x5] =	stream.indirect.gather [hbm4b:s3+s24], $0x40, s22, s24, $0xb8;
	[tilespmem:$0x16400] =	vst v63  }
0xa7: {  	_ =	swait.ge [sflag:s17], $0x2000  }
0xa8: {  	s23 =	rddreg [dreg:$0x3];
	[sflag:s17] =	ssyncset.done $0x0  }
0xa9: {  	[sflag:s17] =	ssyncadd.s32 $0xFFFFE000;
	s5 =	sadd.s32 s4, s23  }
0xaa: {  	[hbm4b:s5+s6] =	stream.strided.scatter [tilespmem:s28], [sflag:$0xF], $0x2000, s24, s6, $0x38;
	[tilespmem:$0x16400] =	vst v63  }
0xab: {  	_ =	swait.ge [sflag:s18], $0x2000  }
0xac: {  	[sflag:s18] =	ssyncset.done $0x0  }
0xad: {  	s22 =	simm.s32 $0xA80;
	[sflag:s18] =	ssyncadd.s32 $0xFFFFE000  }
0xae: {  	[tilespmem:s30], [sflag:$0x6] =	stream.indirect.gather [hbm4b:s3+s24], $0x40, s22, s24, $0xb8;
	[tilespmem:$0x16400] =	vst v63  }
0xaf: {  	_ =	swait.ge [sflag:s19], $0x2000  }
0xb0: {  	s23 =	rddreg [dreg:$0xa];
	[sflag:s19] =	ssyncset.done $0x0  }
0xb1: {  	[sflag:s19] =	ssyncadd.s32 $0xFFFFE000;
	s5 =	sadd.s32 s4, s23  }
0xb2: {  	[hbm4b:s5+s6] =	stream.strided.scatter [tilespmem:s0], [sflag:$0x10], $0x2000, s24, s6, $0x38;
	[tilespmem:$0x16400] =	vst v63  }
0xb3: {  	_ =	swait.ge [sflag:s20], $0x2000  }
0xb4: {  	s22 =	simm.s32 $0xB00;
	[sflag:s20] =	ssyncset.done $0x0  }
0xb5: {  	s23 =	sadd.s32 $0x4000, s4;
	s5 =	simm.s32 $0x1000;
	[sflag:s20] =	ssyncadd.s32 $0xFFFFE000  }
.LBB2_2:
0xb6: {  	[tilespmem:s28], [sflag:$0x7] =	stream.indirect.gather [hbm4b:s3+s24], $0x40, s22, s24, $0xb8;
	[tilespmem:$0x16400] =	vst v63  }
0xb7: {  	_ =	swait.ge [sflag:s2], $0x2000  }
0xb8: {  	s4 =	rddreg [dreg:$0x9];
	[sflag:s2] =	ssyncset.done $0x0  }
0xb9: {  	[sflag:s2] =	ssyncadd.s32 $0xFFFFE000;
	s4 =	sadd.s32 s23, s4  }
0xba: {  	[hbm4b:s4+s6] =	stream.strided.scatter [tilespmem:s25], [sflag:$0x9], $0x2000, s24, s6, $0x38;
	[tilespmem:$0x16400] =	vst v63  }
0xbb: {  	s22 =	smov.u32 s5;
	_ =	swait.ge [sflag:s21], $0x2000  }
0xbc: {  	s22 =	sshra.s32 s22, $0x2;
	[sflag:s21] =	ssyncset.done $0x0  }
0xbd: {  	s4 =	sadd.s32 $0x780, s22;
	[sflag:s21] =	ssyncadd.s32 $0xFFFFE000  }
0xbe: {  	[tilespmem:s0], [sflag:$0x8] =	stream.indirect.gather [hbm4b:s3+s24], $0x40, s4, s24, $0xb8;
	[tilespmem:$0x16400] =	vst v63  }
0xbf: {  	_ =	swait.ge [sflag:s7], $0x2000  }
0xc0: {  	s4 =	rddreg [dreg:$0x8];
	[sflag:s7] =	ssyncset.done $0x0  }
0xc1: {  	[sflag:s7] =	ssyncadd.s32 $0xFFFFE000;
	s4 =	sadd.s32 s23, s4  }
0xc2: {  	[hbm4b:s4+s6] =	stream.strided.scatter [tilespmem:s26], [sflag:$0xA], $0x2000, s24, s6, $0x38;
	[tilespmem:$0x16400] =	vst v63  }
0xc3: {  	_ =	swait.ge [sflag:s8], $0x2000  }
0xc4: {  	[sflag:s8] =	ssyncset.done $0x0  }
0xc5: {  	s4 =	sadd.s32 $0x800, s22;
	[sflag:s8] =	ssyncadd.s32 $0xFFFFE000  }
0xc6: {  	[tilespmem:s25], [sflag:$0x1] =	stream.indirect.gather [hbm4b:s3+s24], $0x40, s4, s24, $0xb8;
	[tilespmem:$0x16400] =	vst v63  }
0xc7: {  	_ =	swait.ge [sflag:s9], $0x2000  }
0xc8: {  	s4 =	rddreg [dreg:$0x7];
	[sflag:s9] =	ssyncset.done $0x0  }
0xc9: {  	[sflag:s9] =	ssyncadd.s32 $0xFFFFE000;
	s4 =	sadd.s32 s23, s4  }
0xca: {  	[hbm4b:s4+s6] =	stream.strided.scatter [tilespmem:s29], [sflag:$0xB], $0x2000, s24, s6, $0x38;
	[tilespmem:$0x16400] =	vst v63  }
0xcb: {  	_ =	swait.ge [sflag:s10], $0x2000  }
0xcc: {  	[sflag:s10] =	ssyncset.done $0x0  }
0xcd: {  	s4 =	sadd.s32 $0x880, s22;
	[sflag:s10] =	ssyncadd.s32 $0xFFFFE000  }
0xce: {  	[tilespmem:s26], [sflag:$0x2] =	stream.indirect.gather [hbm4b:s3+s24], $0x40, s4, s24, $0xb8;
	[tilespmem:$0x16400] =	vst v63  }
0xcf: {  	_ =	swait.ge [sflag:s11], $0x2000  }
0xd0: {  	s4 =	rddreg [dreg:$0x6];
	[sflag:s11] =	ssyncset.done $0x0  }
0xd1: {  	[sflag:s11] =	ssyncadd.s32 $0xFFFFE000;
	s4 =	sadd.s32 s23, s4  }
0xd2: {  	[hbm4b:s4+s6] =	stream.strided.scatter [tilespmem:s31], [sflag:$0xC], $0x2000, s24, s6, $0x38;
	[tilespmem:$0x16400] =	vst v63  }
0xd3: {  	_ =	swait.ge [sflag:s12], $0x2000  }
0xd4: {  	[sflag:s12] =	ssyncset.done $0x0  }
0xd5: {  	s4 =	sadd.s32 $0x900, s22;
	[sflag:s12] =	ssyncadd.s32 $0xFFFFE000  }
0xd6: {  	[tilespmem:s29], [sflag:$0x3] =	stream.indirect.gather [hbm4b:s3+s24], $0x40, s4, s24, $0xb8;
	[tilespmem:$0x16400] =	vst v63  }
0xd7: {  	_ =	swait.ge [sflag:s13], $0x2000  }
0xd8: {  	s4 =	rddreg [dreg:$0x5];
	[sflag:s13] =	ssyncset.done $0x0  }
0xd9: {  	[sflag:s13] =	ssyncadd.s32 $0xFFFFE000;
	s4 =	sadd.s32 s23, s4  }
0xda: {  	[hbm4b:s4+s6] =	stream.strided.scatter [tilespmem:s1], [sflag:$0xD], $0x2000, s24, s6, $0x38;
	[tilespmem:$0x16400] =	vst v63  }
0xdb: {  	_ =	swait.ge [sflag:s14], $0x2000  }
0xdc: {  	[sflag:s14] =	ssyncset.done $0x0  }
0xdd: {  	s4 =	sadd.s32 $0x980, s22;
	[sflag:s14] =	ssyncadd.s32 $0xFFFFE000  }
0xde: {  	[tilespmem:s31], [sflag:$0x4] =	stream.indirect.gather [hbm4b:s3+s24], $0x40, s4, s24, $0xb8;
	[tilespmem:$0x16400] =	vst v63  }
0xdf: {  	_ =	swait.ge [sflag:s15], $0x2000  }
0xe0: {  	s4 =	rddreg [dreg:$0x4];
	[sflag:s15] =	ssyncset.done $0x0  }
0xe1: {  	[sflag:s15] =	ssyncadd.s32 $0xFFFFE000;
	s4 =	sadd.s32 s23, s4  }
0xe2: {  	[hbm4b:s4+s6] =	stream.strided.scatter [tilespmem:s30], [sflag:$0xE], $0x2000, s24, s6, $0x38;
	[tilespmem:$0x16400] =	vst v63  }
0xe3: {  	_ =	swait.ge [sflag:s16], $0x2000  }
0xe4: {  	[sflag:s16] =	ssyncset.done $0x0  }
0xe5: {  	s4 =	sadd.s32 $0xA00, s22;
	[sflag:s16] =	ssyncadd.s32 $0xFFFFE000  }
0xe6: {  	[tilespmem:s1], [sflag:$0x5] =	stream.indirect.gather [hbm4b:s3+s24], $0x40, s4, s24, $0xb8;
	[tilespmem:$0x16400] =	vst v63  }
0xe7: {  	_ =	swait.ge [sflag:s17], $0x2000  }
0xe8: {  	s4 =	rddreg [dreg:$0x3];
	[sflag:s17] =	ssyncset.done $0x0  }
0xe9: {  	[sflag:s17] =	ssyncadd.s32 $0xFFFFE000;
	s4 =	sadd.s32 s23, s4  }
0xea: {  	[hbm4b:s4+s6] =	stream.strided.scatter [tilespmem:s28], [sflag:$0xF], $0x2000, s24, s6, $0x38;
	[tilespmem:$0x16400] =	vst v63  }
0xeb: {  	_ =	swait.ge [sflag:s18], $0x2000  }
0xec: {  	[sflag:s18] =	ssyncset.done $0x0  }
0xed: {  	s4 =	sadd.s32 $0xA80, s22;
	[sflag:s18] =	ssyncadd.s32 $0xFFFFE000  }
0xee: {  	[tilespmem:s30], [sflag:$0x6] =	stream.indirect.gather [hbm4b:s3+s24], $0x40, s4, s24, $0xb8;
	[tilespmem:$0x16400] =	vst v63  }
0xef: {  	_ =	swait.ge [sflag:s19], $0x2000  }
0xf0: {  	p0 =	sne.s32 s5, $0x16000;
	s4 =	rddreg [dreg:$0xa];
	[sflag:s19] =	ssyncset.done $0x0  }
.Ltmp0:
0xf1: {  	[sflag:s19] =	ssyncadd.s32 $0xFFFFE000;
	s4 =	sadd.s32 s23, s4;
	(pc) =	sbr.rel @p0 .LBB2_2-.Ltmp0, $4  }
0xf2: {  	[hbm4b:s4+s6] =	stream.strided.scatter [tilespmem:s0], [sflag:$0x10], $0x2000, s24, s6, $0x38;
	[tilespmem:$0x16400] =	vst v63  }
0xf3: {  	_ =	swait.ge [sflag:s20], $0x2000  }
0xf4: {  	s5 =	sadd.s32 $0x1000, s5;
	[sflag:s20] =	ssyncset.done $0x0  }
0xf5: {  	s22 =	sadd.s32 $0xB00, s22;
	s23 =	sadd.s32 $0x4000, s23;
	[sflag:s20] =	ssyncadd.s32 $0xFFFFE000  }
0xf6: {  	[tilespmem:s28], [sflag:$0x7] =	stream.indirect.gather [hbm4b:s3+s24], $0x40, s22, s24, $0xb8;
	[tilespmem:$0x16400] =	vst v63  }
0xf7: {  	_ =	swait.ge [sflag:s2], $0x2000  }
0xf8: {  	[sflag:s2] =	ssyncset.done $0x0  }
0xf9: {  	s4 =	rddreg [dreg:$0x15];
	[sflag:s2] =	ssyncadd.s32 $0xFFFFE000  }
0xfa: {  	[hbm4b:s4+s6] =	stream.strided.scatter [tilespmem:s25], [sflag:$0x9], $0x2000, s24, s6, $0x38;
	[tilespmem:$0x16400] =	vst v63  }
0xfb: {  	_ =	swait.ge [sflag:s21], $0x2000  }
0xfc: {  	[sflag:s21] =	ssyncset.done $0x0  }
0xfd: {  	s5 =	simm.s32 $0x6380;
	[sflag:s21] =	ssyncadd.s32 $0xFFFFE000  }
0xfe: {  	[tilespmem:s0], [sflag:$0x8] =	stream.indirect.gather [hbm4b:s3+s24], $0x40, s5, s24, $0xb8;
	[tilespmem:$0x16400] =	vst v63  }
0xff: {  	_ =	swait.ge [sflag:s7], $0x2000  }
0x100: {  	[sflag:s7] =	ssyncset.done $0x0  }
0x101: {  	s22 =	rddreg [dreg:$0x16];
	[sflag:s7] =	ssyncadd.s32 $0xFFFFE000  }
0x102: {  	[hbm4b:s22+s6] =	stream.strided.scatter [tilespmem:s26], [sflag:$0xA], $0x2000, s24, s6, $0x38;
	[tilespmem:$0x16400] =	vst v63  }
0x103: {  	_ =	swait.ge [sflag:s8], $0x2000  }
0x104: {  	[sflag:s8] =	ssyncset.done $0x0  }
0x105: {  	[sflag:s8] =	ssyncadd.s32 $0xFFFFE000  }
0x106: {  	_ =	swait.ge [sflag:s9], $0x2000  }
0x107: {  	[sflag:s9] =	ssyncset.done $0x0  }
0x108: {  	s23 =	rddreg [dreg:$0x17];
	[sflag:s9] =	ssyncadd.s32 $0xFFFFE000  }
0x109: {  	[hbm4b:s23+s6] =	stream.strided.scatter [tilespmem:s29], [sflag:$0xB], $0x2000, s24, s6, $0x38;
	[tilespmem:$0x16400] =	vst v63  }
0x10a: {  	_ =	swait.ge [sflag:s10], $0x2000  }
0x10b: {  	[sflag:s10] =	ssyncset.done $0x0  }
0x10c: {  	[sflag:s10] =	ssyncadd.s32 $0xFFFFE000  }
0x10d: {  	_ =	swait.ge [sflag:s11], $0x2000  }
0x10e: {  	[sflag:s11] =	ssyncset.done $0x0  }
0x10f: {  	s5 =	rddreg [dreg:$0x18];
	[sflag:s11] =	ssyncadd.s32 $0xFFFFE000  }
0x110: {  	[hbm4b:s5+s6] =	stream.strided.scatter [tilespmem:s31], [sflag:$0xC], $0x2000, s24, s6, $0x38;
	[tilespmem:$0x16400] =	vst v63  }
0x111: {  	_ =	swait.ge [sflag:s12], $0x2000  }
0x112: {  	[sflag:s12] =	ssyncset.done $0x0  }
0x113: {  	[sflag:s12] =	ssyncadd.s32 $0xFFFFE000  }
0x114: {  	_ =	swait.ge [sflag:s13], $0x2000  }
0x115: {  	[sflag:s13] =	ssyncset.done $0x0  }
0x116: {  	s22 =	rddreg [dreg:$0x19];
	[sflag:s13] =	ssyncadd.s32 $0xFFFFE000  }
0x117: {  	[hbm4b:s22+s6] =	stream.strided.scatter [tilespmem:s1], [sflag:$0xD], $0x2000, s24, s6, $0x38;
	[tilespmem:$0x16400] =	vst v63  }
0x118: {  	_ =	swait.ge [sflag:s14], $0x2000  }
0x119: {  	[sflag:s14] =	ssyncset.done $0x0  }
0x11a: {  	[sflag:s14] =	ssyncadd.s32 $0xFFFFE000  }
0x11b: {  	_ =	swait.ge [sflag:s15], $0x2000  }
0x11c: {  	[sflag:s15] =	ssyncset.done $0x0  }
0x11d: {  	s23 =	rddreg [dreg:$0x1a];
	[sflag:s15] =	ssyncadd.s32 $0xFFFFE000  }
0x11e: {  	[hbm4b:s23+s6] =	stream.strided.scatter [tilespmem:s30], [sflag:$0xE], $0x2000, s24, s6, $0x38;
	[tilespmem:$0x16400] =	vst v63  }
0x11f: {  	_ =	swait.ge [sflag:s16], $0x2000  }
0x120: {  	[sflag:s16] =	ssyncset.done $0x0  }
0x121: {  	[sflag:s16] =	ssyncadd.s32 $0xFFFFE000  }
0x122: {  	_ =	swait.ge [sflag:s17], $0x2000  }
0x123: {  	[sflag:s17] =	ssyncset.done $0x0  }
0x124: {  	s5 =	rddreg [dreg:$0x1b];
	[sflag:s17] =	ssyncadd.s32 $0xFFFFE000  }
0x125: {  	[hbm4b:s5+s6] =	stream.strided.scatter [tilespmem:s28], [sflag:$0xF], $0x2000, s24, s6, $0x38;
	[tilespmem:$0x16400] =	vst v63  }
0x126: {  	_ =	swait.ge [sflag:s18], $0x2000  }
0x127: {  	[sflag:s18] =	ssyncset.done $0x0  }
0x128: {  	[sflag:s18] =	ssyncadd.s32 $0xFFFFE000  }
0x129: {  	_ =	swait.ge [sflag:s19], $0x2000  }
0x12a: {  	[sflag:s19] =	ssyncset.done $0x0  }
0x12b: {  	s22 =	rddreg [dreg:$0x1c];
	[sflag:s19] =	ssyncadd.s32 $0xFFFFE000  }
0x12c: {  	[hbm4b:s22+s6] =	stream.strided.scatter [tilespmem:s0], [sflag:$0x10], $0x2000, s24, s6, $0x38;
	[tilespmem:$0x16400] =	vst v63  }
0x12d: {  	_ =	swait.ge [sflag:s20], $0x2000  }
0x12e: {  	[sflag:s20] =	ssyncset.done $0x0  }
0x12f: {  	[sflag:s20] =	ssyncadd.s32 $0xFFFFE000  }
0x130: {  	_ =	swait.ge [sflag:s21], $0x2000  }
0x131: {  	s5 =	rddreg [dreg:$0x1e]  }
0x132: {  	s23 =	rddreg [dreg:$0x1d];
	s5 =	sadd.s32 $0x1, s5  }
0x133: {  	p0 =	sne.s32 s5, s23  }
.Ltmp1:
0x134: {  	_ = 	snop;
	(pc) =	sbr.rel @p0 .LBB2_1-.Ltmp1, $3  }
0x135: {  	_ =	sdelay $0x1  }
0x136: {  	[sflag:s21] =	ssyncset.done $0x0  }
0x137: {  	[sflag:s21] =	ssyncadd.s32 $0xFFFFE000  }
0x138: {  	_ =	sfence.sel $0x180000  }
0x139: {  	[bflag:$0x0] =	sbarrier.arrive $0xFFFF  }
0x13a: {  	_ =	strace $0x90000047  }
0x13b: {  	s0 =	stileid.u32;
	[bflag:$0x2] =	sbarrier.arrive $0xFFFF  }
0x13c: {  	p0 =	sne.s32 s0, $0x0;
	s0 =	rddreg [dreg:$0x2]  }
0x13d: {  	s0 =	sadd.s32 @!p0 $0x100000, s0  }
0x13e: {  	[sflag:s0] =	ssyncadd.tile.s32 @!p0 $0x1;
	_ =	shalt  }
.Lfunc_end2:
_tile_overlayer_lowered:
.L_overlay_start_2:
0x13f: {  	(tag) =	ssettag $0x2  }
0x140: {  	s0 =	rddreg [dreg:$0x0];
	s2 =	stileid.u32  }
0x141: {  	s1 =	rddreg [dreg:$0x1];
	p0 =	sne.s32 s2, $0x0  }
0x142: {  	s3 =	rddreg [dreg:$0x2];
	[bflag:$0x3] =	sbarrier.arrive $0xFFFF;
	s2 =	simm.s32 @!p0 $0x1C11  }
0x143: {  	[timem:s3], [sflag:s2] =	dma.local @!p0 [hbm:s0], s1  }
0x144: {  	s0 =	simm.s32 @!p0 $0x11  }
0x145: {  	_ =	swait.ge @!p0 [sflag:s0], s1  }
0x146: {  	s1 =	ssub.s32 @!p0 $0x0, s1;
	[sflag:s0] =	ssyncset.done @!p0 $0x0  }
0x147: {  	[sflag:s0] =	ssyncadd.s32 @!p0 s1  }
0x148: {  	[bflag:$0x3] =	sbarrier.arrive $0xFFFF  }
0x149: {  	_ =	shalt  }

// kernel: sparse-core-data-format-call.cloned.1.call-start
scs
called_computation_lowered:
.L_overlay_start_0:
0x0: {  	s2 =	sld [smem:$0x3FD9]  }
0x1: {  	s3 =	sld [smem:$0x3FFE];
	_ =	sdelay $0x1  }
0x2: {  	s1 =	srdreg.scid  }
0x3: {  	s0 =	sand.u32 $0x1, s1  }
0x4: {  	s18 =	sshll.u32 s0, $0xA;
	s2 =	sadd.s32 s3, s2  }
0x5: {  	s2 =	sadd.s32 s2, s18  }
0x6: {  	[smem:$0x3FC6] =	sst s2  }
0x7: {  	_ = 	snop  }
0x8: {  	s2 =	sld [smem:$0x3FD0];
	(tm) =	ssettm $0x1  }
0x9: {  	s19 =	sld [smem:$0x3FFB];
	_ =	sdelay $0x3  }
0xa: {  	_ =	strace s19  }
0xb: {  	s3 =	sld [smem:$0x3FFC];
	_ =	sdelay $0x3  }
0xc: {  	_ =	strace s3  }
0xd: {  	s3 =	sld [smem:$0x3FFD];
	_ =	sdelay $0x3  }
0xe: {  	_ =	strace s3  }
0xf: {  	_ =	strace $0x8FFFFFFF  }
0x10: {  	s20 =	sld [smem:$0x3FDB];
	_ =	sdelay $0x1  }
0x11: {  	s4 =	simm.s32 $_scs_section_size  }
0x12: {  	s5 =	simm.s32 $_size__tile_overlayer_lowered;
	s6 =	simm.s32 $_tile_overlayer_lowered  }
0x13: {  	s23 =	simm.s32 $0x1BFF;
	s22 =	sshll.u32 s6, $0x1;
	s3 =	sadd.s32 s4, s20  }
0x14: {  	s7 =	simm.s32 $0x0;
	s21 =	sshll.u32 s5, $0x1;
	s5 =	sadd.s32 s22, s3  }
0x15: {  	[timem:s7], [sflag:s23] =	dma.local [hbm:s5], s21  }
0x16: {  	_ =	swait.ge [sflag:s23], s21  }
0x17: {  	s4 =	ssub.s32 $0x0, s21;
	[sflag:s23] =	ssyncset.done $0x0  }
0x18: {  	[sflag:s23] =	ssyncadd.s32 s4;
	_ =	sdelay $0x1  }
0x19: {  	s24 =	simm.s32 $0x1B8B  }
0x1a: {  	_ =	swait.ge [sflag:s24], $0x1  }
0x1b: {  	[sflag:s24] =	ssyncset.done $0x0  }
0x1c: {  	s26 =	simm.s32 $0x1B8E;
	s25 =	sld [smem:$0x3FFE];
	[sflag:s24] =	ssyncadd.s32 $0xFFFFFFFF  }
0x1d: {  	s27 =	simm.s32 $execute0_lowered;
	[smem:$0x3FD2] =	sst s26  }
0x1e: {  	s5 =	sshll.u32 s27, $0x1;
	_ =	strace $0x80000049;
	[dreg:$0x1] =	wrdreg $0xFFFFFFFF  }
0x1f: {  	s28 =	simm.s32 $_size_execute0_lowered;
	s3 =	sadd.s32 s3, s5;
	[dreg:$0x0] =	wrdreg $0x0  }
0x20: {  	s5 =	sshll.u32 s28, $0x1;
	[dreg:$0x2] =	wrdreg s3  }
0x21: {  	[dreg:$0x3] =	wrdreg s5  }
0x22: {  	[dreg:$0x4] =	wrdreg $0xC0  }
0x23: {  	_ =	task [dreg:s7], $0x5FFFF  }
0x24: {  	[dreg:$0x1] =	wrdreg $0xFFFFFFFF  }
0x25: {  	[dreg:$0x0] =	wrdreg $0x60  }
0x26: {  	[dreg:$0x2] =	wrdreg s25  }
0x27: {  	[dreg:$0x3] =	wrdreg s2  }
0x28: {  	[dreg:$0x4] =	wrdreg $0x9  }
0x29: {  	_ =	task.clear_ibuf [dreg:s7], $0x5FFFF;
	_ =	strace $0x90000049  }
0x2a: {  	s29 =	simm.s32 $0x9;
	_ =	strace $0x8000004B  }
0x2b: {  	_ =	swait.ge [sflag:s29], $0x1  }
0x2c: {  	[sflag:s29] =	ssyncadd.s32 $0xFFFFFFFF  }
0x2d: {  	_ =	strace $0x9000004B  }
0x2e: {  	_ =	sfence  }
0x2f: {  	s30 =	sld [smem:$0x0];
	_ =	sdelay $0x2  }
0x30: {  	s31 =	sshll.u32 s1, $0xD;
	s1 =	sshrl.u32 s1, $0x2  }
0x31: {  	s3 =	sand.u32 $0x4000, s31;
	s1 =	sadd.s32 s1, s30  }
0x32: {  	s0 =	sor.u32 s3, s0;
	s1 =	sshll.u32 s1, $0x11  }
0x33: {  	s0 =	sor.u32 s1, s0  }
0x34: {  	s0 =	sadd.s32 $0x8F2B, s0  }
0x35: {  	[sflag:s0] =	ssyncadd.remote.s32 $0x1  }
0x36: {  	_ =	sfence.sel $0xFFFF  }
0x37: {  	[dreg:$0x0] =	wrdreg $0xFFFFFFFF;
	(pc) =	sbr.abs _section_cstart, $3  }
0x38: {  	[dreg:$0x1] =	wrdreg $0xFFFFFFFF  }
0x39: {  	_ =	task.clear_ibuf [dreg:s7], $0x2FFFF;
	_ =	strace $0x9FFFFFFF  }
0x3a: {  	(tm) =	ssettm $0x7FFFFFFF  }
0x3b: {  	_ =	shalt  }
tec
execute0_lowered:
.L_overlay_start_1:
0x0: {  	(tag) =	ssettag $0x1  }
0x1: {  	s0 =	srdreg.scid  }
0x2: {  	s1 =	sshll.u32 s0, $0x4  }
0x3: {  	s0 =	stileid.u32;
	s1 =	sand.u32 $0x10, s1  }
0x4: {  	s1 =	sor.u32 s0, s1  }
0x5: {  	s6 =	rddreg [dreg:$0x0];
	s4 =	simm.s32 $0x1;
	s2 =	sshll.u32 s1, $0x7  }
0x6: {  	s7 =	simm.s32 $0x2;
	s12 =	simm.s32 $0x0;
	s1 =	ssub.s32 $0x1000, s2  }
0x7: {  	s8 =	simm.s32 $0x8000;
	s13 =	simm.s32 $0x0;
	s3 =	sand.u32 $0xF80, s1  }
0x8: {  	s9 =	simm.s32 $0x0;
	s5 =	sshrl.u32 s1, $0xC;
	p0 =	sne.s32 s3, $0x0  }
.Ltmp0:
0x9: {  	s1 =	rddreg [dreg:$0x2];
	s4 =	simm.s32 @!p0 $0x0;
	(pc) =	sbr.rel .LBB1_1-.Ltmp0, $4  }
0xa: {  	s11 =	simm.s32 $0x0;
	s3 =	rddreg [dreg:$0x1];
	s5 =	sadd.s32 s4, s5  }
0xb: {  	_ =	strace $0x8000004A;
	s4 =	simm.s32 $0x1;
	s5 =	smul.u32 $0xC8, s5  }
0xc: {  	s6 =	sadd.s32 $0xA00, s6;
	s10 =	smov.u32 s2;
	[sflag:s4] =	ssyncpa.u1 $0x0  }
0xd: {  	p0 =	por $0x0, $0x0;
	[sflag:s7] =	ssyncpa.u1 $0x0;
	s7 =	sor.u32 $0x1, s5  }
.LBB1_4:
0xe: {  	s16 =	sshll.u32 s13, $0x3;
	s17 =	sand.u32 $0x78, s13  }
0xf: {  	s30 =	sand.u32 $0x7E00, s13;
	s12 =	sshll.u32 s12, $0xF;
	s16 =	sand.u32 $0xC00, s16  }
0x10: {  	[tilespmem:s15+$0x810 ss:$0x81] =	vst.msk $0xffff, v2;
	s31 =	sand.u32 $0x7, s13;
	s16 =	sor.u32 s17, s16;
	s17 =	sadd.s32 s3, s30  }
0x11: {  	[tilespmem:s15+$0x1020 ss:$0x81] =	vst.msk $0xffff, v0;
	s13 =	sshll.u32 s31, $0x12;
	s12 =	sadd.s32 s12, s17;
	s16 =	sshrl.u32 s16, $0x3  }
0x12: {  	[tilespmem:s15+$0x0 ss:$0x81] =	vst.msk $0xffff, v1;
	s13 =	sor.u32 $0x400, s13;
	s12 =	sadd.s32 s16, s12  }
0x13: {  	[hbm4b:s12+s13] =	stream.strided.scatter [tilespmem:s14], [sflag:$0x2], $0x2000, s8, s13, $0x20;
	[tilespmem:$0x8080] =	vst v63  }
.LBB1_5:
0x14: {  	s14 =	sadd.s32 $0x1, s9  }
0x15: {  	s12 =	sadd.s32 $0x1000, s10;
	s16 =	smov.u32 s10;
	p2 =	sgt.s32 s14, $0xC7  }
0x16: {  	s16 =	smov.u32 @p2 s12  }
0x17: {  	s14 =	simm.s32 @p2 $0x0;
	p2 =	sgt.s32 s16, $0xFFF  }
0x18: {  	s16 =	smov.u32 @p2 s2;
	p2 =	sne.s32 s11, s7  }
.Ltmp1:
0x19: {  	p1 =	slt.u32 s11, $0x2;
	(pc) =	sbr.rel @!p2 .LBB1_6-.Ltmp1, $4  }
0x1a: {  	s15 =	simm.s32 @!p1 $0x2  }
0x1b: {  	s13 =	smov.u32 s10;
	p0 =	por !p0, !p0;
	_ =	swait.ge @!p1 [sflag:s15], $0x2000  }
0x1c: {  	s12 =	smov.u32 s9;
	[sflag:s15] =	ssyncset.done @!p1 $0x0;
	s9 =	smov.u32 s14  }
0x1d: {  	s11 =	sadd.s32 $0x1, s11;
	[sflag:s15] =	ssyncadd.s32 @!p1 $0xFFFFE000;
	s10 =	smov.u32 s16  }
.LBB1_1:
0x1e: {  	p1 =	sge.u32 s11, s5  }
0x1f: {  	s14 =	sand.u32 @!p1 $0x1FFFFFF, s9  }
0x20: {  	s15 =	smulhi.u32 @!p1 $0x147AE15, s14;
	_ =	sdelay $0x1  }
0x21: {  	s15 =	smul.u32 @!p1 $0xC8, s15  }
0x22: {  	s16 =	sxor.u32 @!p1 $0xFFFFFFFF, s11;
	s17 =	smul.u32 @!p1 $0xC80, s10  }
0x23: {  	s31 =	sadd.s32 $0xFFFFFFFF, s11;
	s16 =	sshll.u32 @!p1 s16, $0xD;
	s14 =	ssub.s32 @!p1 s14, s15  }
0x24: {  	s15 =	sand.u32 @!p1 $0x2000, s16;
	s16 =	sadd.s32 @!p1 s6, s17;
	s14 =	sshll.u32 @!p1 s14, $0x4  }
0x25: {  	s17 =	simm.s32 @!p1 $0x6400;
	s14 =	sadd.s32 @!p1 s14, s16;
	s16 =	simm.s32 @!p1 $0x40  }
0x26: {  	[tilespmem:s15], [sflag:$0x1] =	stream.strided.gather @!p1 [hbm4b:s14+s16], $0x2000, s17, s16, $0x38;
	[tilespmem:$0x8080] =	vst v63  }
0x27: {  	p1 =	sge.u32 s31, s5  }
.Ltmp2:
0x28: {  	_ = 	snop;
	(pc) =	sbr.rel @p1 .LBB1_5-.Ltmp2, $1  }
0x29: {  	_ =	sdelay $0x3  }
0x2a: {  	s14 =	simm.s32 $0x1  }
0x2b: {  	_ =	swait.ge [sflag:s4], $0x2000;
	s14 =	simm.s32 @!p0 $0x0  }
0x2c: {  	[sflag:s4] =	ssyncset.done $0x0;
	s15 =	sshll.u32 s14, $0xD  }
0x2d: {  	[sflag:s4] =	ssyncadd.s32 $0xFFFFE000;
	s18 =	sor.u32 $0x20, s15  }
0x2e: {  	s14 =	smul.u32 $0x8100, s14;
	v3 =	vld [tilespmem:s18+$0x10]  }
0x2f: {  	s30 =	sand.u32 $0x1, s11;
	v2 =	vld [tilespmem:s18+$0xFFFFFFF0]  }
0x30: {  	s15 =	smul.u32 $0x8100, s30;
	s14 =	sshrl.u32 s14, $0x2;
	v0 =	vld [tilespmem:s18+$0x0]  }
0x31: {  	v1 =	vld [tilespmem:s18+$0xFFFFFFE0];
	s16 =	sor.u32 $0x4000, s14  }
0x32: {  	s31 =	sshrl.u32 s15, $0x2;
	s15 =	sadd.s32 $0x0, s16  }
0x33: {  	s17 =	simm.s32 $0x4;
	s18 =	sadd.s32 $0x40, s18;
	s14 =	sor.u32 $0x4000, s31;
	[tilespmem:s15+$0x1830 ss:$0x81] =	vst.msk $0xffff, v3  }
.LBB1_3:
0x34: {  	v3 =	vld [tilespmem:s18+$0x10];
	p1 =	sne.s32 s17, $0x1FC;
	[tilespmem:s15+$0x810 ss:$0x81] =	vst.msk $0xffff, v2;
	s19 =	smov.u32 s17;
	s17 =	sadd.s32 $0x4, s17  }
.Ltmp3:
0x35: {  	v2 =	vld [tilespmem:s18+$0xFFFFFFF0];
	[tilespmem:s15+$0x1020 ss:$0x81] =	vst.msk $0xffff, v0;
	(pc) =	sbr.rel @p1 .LBB1_3-.Ltmp3, $4  }
0x36: {  	v0 =	vld [tilespmem:s18+$0x0];
	[tilespmem:s15+$0x0 ss:$0x81] =	vst.msk $0xffff, v1  }
0x37: {  	s15 =	sshra.s32 s19, $0x2;
	v1 =	vld [tilespmem:s18+$0xFFFFFFE0]  }
0x38: {  	s15 =	sadd.s32 s15, s16  }
0x39: {  	s18 =	sadd.s32 $0x40, s18;
	[tilespmem:s15+$0x1830 ss:$0x81] =	vst.msk $0xffff, v3  }
.Ltmp4:
0x3a: {  	_ = 	snop;
	(pc) =	sbr.rel .LBB1_4-.Ltmp4, $1  }
0x3b: {  	_ =	sdelay $0x3  }
.LBB1_6:
0x3c: {  	_ =	sfence.sel $0x180000  }
0x3d: {  	s2 =	simm.s32 $0x1;
	[bflag:$0x0] =	sbarrier.arrive $0xFFFF  }
0x3e: {  	s31 =	simm.s32 $0x2;
	[sflag:s2] =	ssyncpa.u1 $0x1  }
0x3f: {  	[sflag:s31] =	ssyncpa.u1 $0x1  }
0x40: {  	p0 =	sne.s32 s0, $0x0;
	_ =	strace $0x9000004A  }
0x41: {  	s0 =	sadd.s32 @!p0 $0x100000, s1;
	[bflag:$0x2] =	sbarrier.arrive $0xFFFF  }
0x42: {  	[sflag:s0] =	ssyncadd.tile.s32 @!p0 $0x1;
	_ =	shalt  }
.Lfunc_end1:
_tile_overlayer_lowered:
.L_overlay_start_2:
0x43: {  	(tag) =	ssettag $0x2  }
0x44: {  	s0 =	rddreg [dreg:$0x0];
	s2 =	stileid.u32  }
0x45: {  	s1 =	rddreg [dreg:$0x1];
	p0 =	sne.s32 s2, $0x0  }
0x46: {  	s3 =	rddreg [dreg:$0x2];
	[bflag:$0x3] =	sbarrier.arrive $0xFFFF;
	s2 =	simm.s32 @!p0 $0x1C01  }
0x47: {  	[timem:s3], [sflag:s2] =	dma.local @!p0 [hbm:s0], s1  }
0x48: {  	s0 =	simm.s32 @!p0 $0x1  }
0x49: {  	_ =	swait.ge @!p0 [sflag:s0], s1  }
0x4a: {  	s1 =	ssub.s32 @!p0 $0x0, s1;
	[sflag:s0] =	ssyncset.done @!p0 $0x0  }
0x4b: {  	[sflag:s0] =	ssyncadd.s32 @!p0 s1  }
0x4c: {  	[bflag:$0x3] =	sbarrier.arrive $0xFFFF  }
0x4d: {  	_ =	shalt  }

</sc_bundles>
